<compile_context>
chip_gen: v7x
topology: tpu7x:2x2x1
jax: 0.10.2.dev20260603
libtpu: 0.0.44.dev20260713+nightly
codegen_flags: <defaults>
</compile_context>

<pallas_src>
import functools

import jax
import jax.numpy as jnp
from jax.experimental import pallas as pl
from jax.experimental.pallas import tpu as pltpu
from jax.experimental.pallas import tpu_sc as plsc

_T = 4
_B = 8
_N = 8192
_G = 256
_M = 32
_S = 832
_TB = _T * _B
_NIDX = _TB * _G * _M
_DPAD = 16



def _fps_body(xs_ref, ys_ref, zs_ref, cx_ref, cy_ref, cz_ref):
    xs = xs_ref[...]
    ys = ys_ref[...]
    zs = zs_ref[...]
    lane = jax.lax.broadcasted_iota(jnp.int32, (_B, _N), 1)

    def step(s, carry):
        dist, far = carry
        sel = lane == far[:, None]
        cx = jnp.sum(jnp.where(sel, xs, 0.0), axis=1)
        cy = jnp.sum(jnp.where(sel, ys, 0.0), axis=1)
        cz = jnp.sum(jnp.where(sel, zs, 0.0), axis=1)
        cx_ref[pl.ds(s, 1), :] = cx[None, :]
        cy_ref[pl.ds(s, 1), :] = cy[None, :]
        cz_ref[pl.ds(s, 1), :] = cz[None, :]
        dx = xs - cx[:, None]
        dy = ys - cy[:, None]
        dz = zs - cz[:, None]
        d = dx * dx + dy * dy + dz * dz
        dist = jnp.minimum(dist, d)
        mx = jnp.max(dist, axis=1, keepdims=True)
        far = jnp.min(jnp.where(dist == mx, lane, _N), axis=1)
        return dist, far

    dist0 = jnp.full((_B, _N), 1e10, dtype=jnp.float32)
    far0 = jnp.zeros((_B,), dtype=jnp.int32)
    jax.lax.fori_loop(0, _S, step, (dist0, far0))


def _fps(xs, ys, zs):
    out = jax.ShapeDtypeStruct((_S, _B), jnp.float32)
    return pl.pallas_call(
        _fps_body,
        out_shape=(out, out, out),
    )(xs, ys, zs)



_GC = 64


def _knn_body(cq_ref, pts_ref, idx_ref):
    cq = cq_ref[0]
    p = pts_ref[0]
    qs = jnp.sum(cq * cq, axis=1)
    ps = jnp.sum(p * p, axis=1)
    cross = jax.lax.dot_general(
        cq, p, (((1,), (1,)), ((), ())),
        preferred_element_type=jnp.float32)
    d2 = qs[:, None] + ps[None, :] - 2.0 * cross

    k = d2
    i = jax.lax.broadcasted_iota(jnp.int32, (_GC, _N), 1)
    for j in range(_M):
        mv = jnp.min(k, axis=1, keepdims=True)
        eq = k == mv
        mi = jnp.min(jnp.where(eq, i, jnp.int32(2**30)), axis=1,
                     keepdims=True)
        idx_ref[0, 0, pl.ds(j, 1), :] = mi.reshape(1, _GC)
        k = jnp.where(eq & (i == mi), jnp.float32(jnp.inf), k)


def _knn_topk(cq, pts):
    idx_t = pl.pallas_call(
        _knn_body,
        grid=(_TB, _G // _GC),
        in_specs=[
            pl.BlockSpec((1, _GC, 3), lambda i, j: (i, j, 0)),
            pl.BlockSpec((1, _N, 3), lambda i, j: (i, 0, 0)),
        ],
        out_specs=pl.BlockSpec((1, 1, _M, _GC), lambda i, j: (i, j, 0, 0)),
        out_shape=jax.ShapeDtypeStruct((_TB, _G // _GC, _M, _GC),
                                       jnp.int32),
        compiler_params=pltpu.CompilerParams(
            dimension_semantics=("parallel", "parallel")),
    )(cq, pts)
    return jnp.transpose(idx_t, (0, 1, 3, 2)).reshape(_TB, _G, _M)



_NW = 32
_BPW = _NIDX // _NW
_CH = 2048


def _sc_gather(table, idx):
    mesh = plsc.VectorSubcoreMesh(core_axis_name="c", subcore_axis_name="s")

    @functools.partial(
        pl.kernel, mesh=mesh,
        compiler_params=pltpu.CompilerParams(use_tc_tiling_on_sc=False),
        out_type=jax.ShapeDtypeStruct((_NIDX, _DPAD), jnp.float32),
        scratch_types=[
            pltpu.VMEM((_CH,), jnp.int32),
            pltpu.VMEM((_CH, _DPAD), jnp.float32),
            pltpu.SemaphoreType.DMA,
        ],
    )
    def k(table_hbm, idx_hbm, out_hbm, idx_v, rows_v, sem):
        wid = jax.lax.axis_index("s") * 2 + jax.lax.axis_index("c")
        base = wid * _BPW

        def body(ci, _):
            off = base + ci * _CH
            pltpu.sync_copy(idx_hbm.at[pl.ds(off, _CH)], idx_v)
            pltpu.async_copy(table_hbm.at[idx_v], rows_v, sem).wait()
            pltpu.sync_copy(rows_v, out_hbm.at[pl.ds(off, _CH)])
            return 0

        jax.lax.fori_loop(0, _BPW // _CH, body, 0)

    return k(table, idx)



def _sub_body(g_ref, c_ref, o_ref):
    o_ref[...] = g_ref[...] - c_ref[...][:, None, :]


def _sub(gath, cen):
    blk = 256
    return pl.pallas_call(
        _sub_body,
        grid=(_TB * _G // blk,),
        in_specs=[
            pl.BlockSpec((blk, _M, _DPAD), lambda i: (i, 0, 0)),
            pl.BlockSpec((blk, _DPAD), lambda i: (i, 0)),
        ],
        out_specs=pl.BlockSpec((blk, _M, _DPAD), lambda i: (i, 0, 0)),
        out_shape=jax.ShapeDtypeStruct((_TB * _G, _M, _DPAD), jnp.float32),
    )(gath, cen)



def kernel(data):
    xyz0 = data[0]
    cxs, cys, czs = _fps(xyz0[..., 0], xyz0[..., 1], xyz0[..., 2])
    center_all = jnp.stack([cxs.T, cys.T, czs.T], axis=-1)

    step_f, step_b = 64, 128
    parts = []
    for i in range(_T):
        a = center_all[:, i * step_f: i * step_f + (_G - step_b)]
        b2 = center_all[:, (i - 1) * step_b + _G + (_T - 1) * step_f:
                        i * step_b + _G + (_T - 1) * step_f]
        parts.append(jnp.concatenate([a, b2], axis=1))
    center = jnp.stack(parts, axis=0)

    cq = center.reshape(_TB, _G, 3)
    pts = data.reshape(_TB, _N, 3)
    idx = _knn_topk(cq, pts)

    idx_flat = (idx + jnp.arange(_TB, dtype=jnp.int32)[:, None, None] * _N
                ).reshape(-1)
    table = jnp.pad(data.reshape(-1, 3), ((0, 0), (0, _DPAD - 3)))
    gath = _sc_gather(table, idx_flat)

    cen_pad = jnp.pad(cq.reshape(_TB * _G, 3), ((0, 0), (0, _DPAD - 3)))
    nb16 = _sub(gath.reshape(_TB * _G, _M, _DPAD), cen_pad)
    nb = nb16[..., :3].reshape(_T, _B, _G, _M, 3)
    return nb, center

# --- scband reference (transcript-rebuilt; emitter-appended) ---
"""Pipeline reference for scband-group-8744553414797 (READ-ONLY COPY).

The authoritative reference and input builder live on the scoring server;
editing this copy changes nothing except your own understanding.
"""

import jax, jax.numpy as jnp
import numpy as np

NUM_GROUP = 256
GROUP_SIZE = 32
EXPAND = 1.5
T = 4
B = 8
N = 8192
C = 3


def furthest_point_sample(xyz, n_samples):
    # xyz: [B, N, 3] -> idx [B, n_samples], matches pointnet2 FPS (starts at index 0)
    Bsz, Np, _ = xyz.shape

    def step(carry, _):
        dist, farthest = carry
        centroid = jnp.take_along_axis(xyz, farthest[:, None, None], axis=1)  # [B,1,3]
        d = jnp.sum((xyz - centroid) ** 2, axis=-1)  # [B,N]
        dist = jnp.minimum(dist, d)
        nxt = jnp.argmax(dist, axis=-1).astype(jnp.int32)
        return (dist, nxt), farthest

    init = (jnp.full((Bsz, Np), 1e10, dtype=xyz.dtype), jnp.zeros((Bsz,), dtype=jnp.int32))
    _, idxs = jax.lax.scan(step, init, None, length=n_samples)
    return jnp.transpose(idxs)  # [B, n_samples]


def setup_inputs(seed: int = 0):
    key = jax.random.key(seed)
    data = jax.random.normal(key, (T, B, N, C), dtype=jnp.float32)
    return {"data": data}


def reference(data):
    xyz = data[..., :3]
    Tn, batch_size, num_points, _ = xyz.shape
    step_f = int((EXPAND - 1.0) * NUM_GROUP / T * 2)   # 64
    step_b = int((EXPAND - 1.0) * NUM_GROUP)           # 128
    xyz_flat = xyz.reshape(Tn * batch_size, num_points, 3)
    n_samples = NUM_GROUP + (step_f + step_b) * (Tn - 1)

    # FPS on first frame only
    center_idx = furthest_point_sample(xyz_flat[:batch_size], n_samples)  # [B, S]
    center = jnp.take_along_axis(data[0], center_idx[..., None], axis=1)  # [B, S, C]

    # sliding-window center selection per timestep
    parts = []
    for i in range(Tn):
        a = center[:, i * step_f: i * step_f + (NUM_GROUP - step_b)]
        b2 = center[:, (i - 1) * step_b + NUM_GROUP + (Tn - 1) * step_f: i * step_b + NUM_GROUP + (Tn - 1) * step_f]
        parts.append(jnp.concatenate([a, b2], axis=1))
    center = jnp.stack(parts, axis=0).reshape(Tn * batch_size, NUM_GROUP, -1)  # [T*B, G, C]

    # KNN: squared distances center -> all points, take group_size nearest
    cq = center[..., :3]
    d2 = (jnp.sum(cq ** 2, axis=-1, keepdims=True)
          + jnp.sum(xyz_flat ** 2, axis=-1)[:, None, :]
          - 2.0 * jnp.einsum('bgc,bnc->bgn', cq, xyz_flat))  # [T*B, G, N]
    _, idx = jax.lax.top_k(-d2, GROUP_SIZE)  # [T*B, G, M]

    idx_base = jnp.arange(Tn * batch_size)[:, None, None] * num_points
    idx_flat = (idx + idx_base).reshape(-1)
    Cc = data.shape[-1]
    neighborhood = data.reshape(Tn * batch_size * num_points, Cc)[idx_flat]
    neighborhood = neighborhood.reshape(Tn, batch_size, NUM_GROUP, GROUP_SIZE, Cc)
    center = center.reshape(Tn, batch_size, NUM_GROUP, 1, -1)
    nb = jnp.concatenate([neighborhood[..., :3] - center[..., :3], neighborhood[..., 3:]], axis=-1)
    return nb, jnp.squeeze(center, axis=-2)

if __name__ == "__main__":
    import jax
    _d = setup_inputs()
    print(jax.jit(kernel)(*tuple(_d.values())))

</pallas_src>

<mosaic_0001>
#map = affine_map<(d0, d1) -> (0, 0)>
#map1 = affine_map<(d0, d1) -> (0)>
module attributes {stable_mosaic.version = 14 : i64} {
  func.func @k(%arg0: i32, %arg1: i32, %arg2: memref<262144x16xf32, #tpu.memory_space<hbm>>, %arg3: memref<262144xi32, #tpu.memory_space<hbm>>, %arg4: memref<262144x16xf32, #tpu.memory_space<hbm>>, %arg5: memref<2048xi32, #tpu.memory_space<vmem>>, %arg6: memref<2048x16xf32, #tpu.memory_space<vmem>>, %arg7: memref<!tpu.dma_semaphore, #tpu.memory_space<semaphore_mem>>) attributes {dimension_semantics = [#tpu.dimension_semantics<core_parallel>, #tpu.dimension_semantics<subcore_parallel>], iteration_bounds = array<i64: 2, 16>, scalar_prefetch = 0 : i64, scratch_operands = 3 : i64, tpu.core_type = #tpu.core_type<sc_vector_subcore>, window_params = [{transform_indices = #map}, {transform_indices = #map1}, {transform_indices = #map}]} {
    %mul3A = arith.constant 2 : i32
    %mul3A_0 = arith.muli %arg1, %mul3A : i32
    %add3A = arith.addi %mul3A_0, %arg0 : i32
    %mul3A_1 = arith.constant 8192 : i32
    %mul3A_2 = arith.muli %add3A, %mul3A_1 : i32
    %scan3A = arith.constant 0 : i32
    %scan3A_3 = arith.constant 0 : i32
    %scan3A_4 = arith.constant 4 : i32
    %scan3A_5 = arith.addi %scan3A_3, %scan3A_4 : i32
    %scan3A_6 = arith.constant 1 : i32
    %scan3A_7 = scf.for %scan3A_9 = %scan3A_3 to %scan3A_5 step %scan3A_6 iter_args(%scan3A_10 = %scan3A) -> (i32)  : i32 {
      %mul3A_11 = arith.constant 2048 : i32
      %mul3A_12 = arith.muli %scan3A_9, %mul3A_11 : i32
      %add3A_13 = arith.addi %mul3A_2, %mul3A_12 : i32
      "tpu.region"() ({
        %run_scoped3A = tpu.sem_alloc : memref<!tpu.dma_semaphore, #tpu.memory_space<semaphore_mem>>
        %dma_start3A_19 = tpu.memref_slice %arg3[%add3A_13] : memref<262144xi32, #tpu.memory_space<hbm>> -> memref<2048xi32, #tpu.memory_space<hbm>>
        %dma_start3A_20 = tpu.memref_slice %arg3[%add3A_13] : memref<262144xi32, #tpu.memory_space<hbm>> -> memref<2048xi32, #tpu.memory_space<hbm>>
        tpu.enqueue_dma source(%dma_start3A_20 : memref<2048xi32, #tpu.memory_space<hbm>>) target(%arg5 : memref<2048xi32, #tpu.memory_space<vmem>>) target_semaphore(%run_scoped3A : memref<!tpu.dma_semaphore, #tpu.memory_space<semaphore_mem>>)
        %dma_wait3A_21 = tpu.memref_slice %arg3[%add3A_13] : memref<262144xi32, #tpu.memory_space<hbm>> -> memref<2048xi32, #tpu.memory_space<hbm>>
        %dma_wait3A_22 = tpu.memref_slice %arg3[%add3A_13] : memref<262144xi32, #tpu.memory_space<hbm>> -> memref<2048xi32, #tpu.memory_space<hbm>>
        tpu.wait_dma2 semaphore(%run_scoped3A : memref<!tpu.dma_semaphore, #tpu.memory_space<semaphore_mem>>) src(%dma_wait3A_22 : memref<2048xi32, #tpu.memory_space<hbm>>) dst(%arg5 : memref<2048xi32, #tpu.memory_space<vmem>>)
        tpu.yield
      }) : () -> ()
      %dma_start3A = arith.constant 0 : i32
      %dma_start3A_14 = arith.constant 0 : i32
      %dma_start3A_15 = tpu.memref_slice %arg2[%dma_start3A, %dma_start3A_14] : memref<262144x16xf32, #tpu.memory_space<hbm>> -> memref<262144x16xf32, #tpu.memory_space<hbm>>
      tpu.enqueue_indirect_dma source(%dma_start3A_15 : memref<262144x16xf32, #tpu.memory_space<hbm>>) target(%arg6 : memref<2048x16xf32, #tpu.memory_space<vmem>>) offsets(%arg5 : memref<2048xi32, #tpu.memory_space<vmem>>) semaphore(%arg7 : memref<!tpu.dma_semaphore, #tpu.memory_space<semaphore_mem>>)
      %dma_wait3A = arith.constant 0 : i32
      %dma_wait3A_16 = arith.constant 0 : i32
      %dma_wait3A_17 = tpu.memref_slice %arg2[%dma_wait3A, %dma_wait3A_16] : memref<262144x16xf32, #tpu.memory_space<hbm>> -> memref<262144x16xf32, #tpu.memory_space<hbm>>
      tpu.wait_indirect_dma semaphore(%arg7 : memref<!tpu.dma_semaphore, #tpu.memory_space<semaphore_mem>>) src(%dma_wait3A_17 : memref<262144x16xf32, #tpu.memory_space<hbm>>) dst(%arg6 : memref<2048x16xf32, #tpu.memory_space<vmem>>)
      "tpu.region"() ({
        %run_scoped3A = tpu.sem_alloc : memref<!tpu.dma_semaphore, #tpu.memory_space<semaphore_mem>>
        %dma_start3A_19 = arith.constant 0 : i32
        %dma_start3A_20 = tpu.memref_slice %arg4[%add3A_13, %dma_start3A_19] : memref<262144x16xf32, #tpu.memory_space<hbm>> -> memref<2048x16xf32, #tpu.memory_space<hbm>>
        %dma_start3A_21 = arith.constant 0 : i32
        %dma_start3A_22 = tpu.memref_slice %arg4[%add3A_13, %dma_start3A_21] : memref<262144x16xf32, #tpu.memory_space<hbm>> -> memref<2048x16xf32, #tpu.memory_space<hbm>>
        tpu.enqueue_dma source(%arg6 : memref<2048x16xf32, #tpu.memory_space<vmem>>) target(%dma_start3A_22 : memref<2048x16xf32, #tpu.memory_space<hbm>>) target_semaphore(%run_scoped3A : memref<!tpu.dma_semaphore, #tpu.memory_space<semaphore_mem>>)
        %dma_wait3A_23 = arith.constant 0 : i32
        %dma_wait3A_24 = tpu.memref_slice %arg4[%add3A_13, %dma_wait3A_23] : memref<262144x16xf32, #tpu.memory_space<hbm>> -> memref<2048x16xf32, #tpu.memory_space<hbm>>
        %dma_wait3A_25 = arith.constant 0 : i32
        %dma_wait3A_26 = tpu.memref_slice %arg4[%add3A_13, %dma_wait3A_25] : memref<262144x16xf32, #tpu.memory_space<hbm>> -> memref<2048x16xf32, #tpu.memory_space<hbm>>
        tpu.wait_dma2 semaphore(%run_scoped3A : memref<!tpu.dma_semaphore, #tpu.memory_space<semaphore_mem>>) src(%arg6 : memref<2048x16xf32, #tpu.memory_space<vmem>>) dst(%dma_wait3A_26 : memref<2048x16xf32, #tpu.memory_space<hbm>>)
        tpu.yield
      }) : () -> ()
      %scan3A_18 = arith.constant 0 : i32
      scf.yield %scan3A_18 : i32
    }
    %scan3A_8 = arith.constant 4 : i32
    return
  }
}

module attributes {stable_mosaic.version = 14 : i64} {
  func.func @_fps_body(%arg0: memref<8x8192xf32, #tpu.memory_space<vmem>>, %arg1: memref<8x8192xf32, #tpu.memory_space<vmem>>, %arg2: memref<8x8192xf32, #tpu.memory_space<vmem>>, %arg3: memref<832x8xf32, #tpu.memory_space<vmem>>, %arg4: memref<832x8xf32, #tpu.memory_space<vmem>>, %arg5: memref<832x8xf32, #tpu.memory_space<vmem>>) attributes {dimension_semantics = [], scalar_prefetch = 0 : i64, scratch_operands = 0 : i64, tpu.core_type = #tpu.core_type<tc>} {
    %get3A = arith.constant 0 : index
    %get3A_0 = arith.constant 0 : index
    %get3A_1 = vector.load %arg0[%get3A, %get3A_0] : memref<8x8192xf32, #tpu.memory_space<vmem>>, vector<8x8192xf32>
    %get3A_2 = arith.constant 0 : index
    %get3A_3 = arith.constant 0 : index
    %get3A_4 = vector.load %arg1[%get3A_2, %get3A_3] : memref<8x8192xf32, #tpu.memory_space<vmem>>, vector<8x8192xf32>
    %get3A_5 = arith.constant 0 : index
    %get3A_6 = arith.constant 0 : index
    %get3A_7 = vector.load %arg2[%get3A_5, %get3A_6] : memref<8x8192xf32, #tpu.memory_space<vmem>>, vector<8x8192xf32>
    %iota3A = tpu.iota {dimensions = array<i32: 1>} : vector<8x8192xi32>
    %broadcast_in_dim3A = arith.constant 1.000000e+10 : f32
    %broadcast_in_dim3A_8 = vector.broadcast %broadcast_in_dim3A : f32 to vector<8x8192xf32>
    %broadcast_in_dim3A_9 = arith.constant 0 : i32
    %broadcast_in_dim3A_10 = vector.broadcast %broadcast_in_dim3A_9 : i32 to vector<8xi32>
    %scan3A = arith.constant 0 : i32
    %scan3A_11 = arith.constant 832 : i32
    %scan3A_12 = arith.addi %scan3A, %scan3A_11 : i32
    %scan3A_13 = arith.constant 1 : i32
    %scan3A_14:2 = scf.for %scan3A_16 = %scan3A to %scan3A_12 step %scan3A_13 iter_args(%scan3A_17 = %broadcast_in_dim3A_8, %scan3A_18 = %broadcast_in_dim3A_10) -> (vector<8x8192xf32>, vector<8xi32>)  : i32 {
      %broadcast_in_dim3A_19 = vector.shape_cast %scan3A_18 : vector<8xi32> to vector<8x1xi32>
      %eq3A = vector.broadcast %broadcast_in_dim3A_19 : vector<8x1xi32> to vector<8x8192xi32>
      %eq3A_20 = arith.cmpi eq, %iota3A, %eq3A : vector<8x8192xi32>
      %jit3A = arith.constant 0.000000e+00 : f32
      %broadcast_in_dim3A_21 = vector.broadcast %jit3A : f32 to vector<8x8192xf32>
      %select_n3A = arith.select %eq3A_20, %get3A_1, %broadcast_in_dim3A_21 : vector<8x8192xi1>, vector<8x8192xf32>
      %reduce_sum3A = arith.constant dense<0.000000e+00> : vector<8xf32>
      %reduce_sum3A_22 = vector.multi_reduction <add>, %select_n3A, %reduce_sum3A [1] : vector<8x8192xf32> to vector<8xf32>
      %jit3A_23 = arith.constant 0.000000e+00 : f32
      %broadcast_in_dim3A_24 = vector.broadcast %jit3A_23 : f32 to vector<8x8192xf32>
      %select_n3A_25 = arith.select %eq3A_20, %get3A_4, %broadcast_in_dim3A_24 : vector<8x8192xi1>, vector<8x8192xf32>
      %reduce_sum3A_26 = arith.constant dense<0.000000e+00> : vector<8xf32>
      %reduce_sum3A_27 = vector.multi_reduction <add>, %select_n3A_25, %reduce_sum3A_26 [1] : vector<8x8192xf32> to vector<8xf32>
      %jit3A_28 = arith.constant 0.000000e+00 : f32
      %broadcast_in_dim3A_29 = vector.broadcast %jit3A_28 : f32 to vector<8x8192xf32>
      %select_n3A_30 = arith.select %eq3A_20, %get3A_7, %broadcast_in_dim3A_29 : vector<8x8192xi1>, vector<8x8192xf32>
      %reduce_sum3A_31 = arith.constant dense<0.000000e+00> : vector<8xf32>
      %reduce_sum3A_32 = vector.multi_reduction <add>, %select_n3A_30, %reduce_sum3A_31 [1] : vector<8x8192xf32> to vector<8xf32>
      %broadcast_in_dim3A_33 = vector.shape_cast %reduce_sum3A_22 : vector<8xf32> to vector<1x8xf32>
      %swap3A = arith.index_cast %scan3A_16 : i32 to index
      %swap3A_34 = arith.constant 0 : index
      %swap3A_35 = vector.load %arg3[%swap3A, %swap3A_34] : memref<832x8xf32, #tpu.memory_space<vmem>>, vector<1x8xf32>
      tpu.vector_store %arg3[%swap3A, %swap3A_34], %broadcast_in_dim3A_33 {strides = array<i32>} : memref<832x8xf32, #tpu.memory_space<vmem>>, vector<1x8xf32>,
      %broadcast_in_dim3A_36 = vector.shape_cast %reduce_sum3A_27 : vector<8xf32> to vector<1x8xf32>
      %swap3A_37 = arith.index_cast %scan3A_16 : i32 to index
      %swap3A_38 = arith.constant 0 : index
      %swap3A_39 = vector.load %arg4[%swap3A_37, %swap3A_38] : memref<832x8xf32, #tpu.memory_space<vmem>>, vector<1x8xf32>
      tpu.vector_store %arg4[%swap3A_37, %swap3A_38], %broadcast_in_dim3A_36 {strides = array<i32>} : memref<832x8xf32, #tpu.memory_space<vmem>>, vector<1x8xf32>,
      %broadcast_in_dim3A_40 = vector.shape_cast %reduce_sum3A_32 : vector<8xf32> to vector<1x8xf32>
      %swap3A_41 = arith.index_cast %scan3A_16 : i32 to index
      %swap3A_42 = arith.constant 0 : index
      %swap3A_43 = vector.load %arg5[%swap3A_41, %swap3A_42] : memref<832x8xf32, #tpu.memory_space<vmem>>, vector<1x8xf32>
      tpu.vector_store %arg5[%swap3A_41, %swap3A_42], %broadcast_in_dim3A_40 {strides = array<i32>} : memref<832x8xf32, #tpu.memory_space<vmem>>, vector<1x8xf32>,
      %broadcast_in_dim3A_44 = vector.shape_cast %reduce_sum3A_22 : vector<8xf32> to vector<8x1xf32>
      %sub3A = vector.broadcast %broadcast_in_dim3A_44 : vector<8x1xf32> to vector<8x8192xf32>
      %sub3A_45 = arith.subf %get3A_1, %sub3A : vector<8x8192xf32>
      %broadcast_in_dim3A_46 = vector.shape_cast %reduce_sum3A_27 : vector<8xf32> to vector<8x1xf32>
      %sub3A_47 = vector.broadcast %broadcast_in_dim3A_46 : vector<8x1xf32> to vector<8x8192xf32>
      %sub3A_48 = arith.subf %get3A_4, %sub3A_47 : vector<8x8192xf32>
      %broadcast_in_dim3A_49 = vector.shape_cast %reduce_sum3A_32 : vector<8xf32> to vector<8x1xf32>
      %sub3A_50 = vector.broadcast %broadcast_in_dim3A_49 : vector<8x1xf32> to vector<8x8192xf32>
      %sub3A_51 = arith.subf %get3A_7, %sub3A_50 : vector<8x8192xf32>
      %mul3A = arith.mulf %sub3A_45, %sub3A_45 : vector<8x8192xf32>
      %mul3A_52 = arith.mulf %sub3A_48, %sub3A_48 : vector<8x8192xf32>
      %add3A = arith.addf %mul3A, %mul3A_52 : vector<8x8192xf32>
      %mul3A_53 = arith.mulf %sub3A_51, %sub3A_51 : vector<8x8192xf32>
      %add3A_54 = arith.addf %add3A, %mul3A_53 : vector<8x8192xf32>
      %min3A = arith.minimumf %scan3A_17, %add3A_54 : vector<8x8192xf32>
      %reduce_max3A = arith.constant dense<0xFF800000> : vector<8xf32>
      %reduce_max3A_55 = vector.multi_reduction <maximumf>, %min3A, %reduce_max3A [1] : vector<8x8192xf32> to vector<8xf32>
      %broadcast_in_dim3A_56 = vector.shape_cast %reduce_max3A_55 : vector<8xf32> to vector<8x1xf32>
      %eq3A_57 = vector.broadcast %broadcast_in_dim3A_56 : vector<8x1xf32> to vector<8x8192xf32>
      %eq3A_58 = arith.cmpf oeq, %min3A, %eq3A_57 : vector<8x8192xf32>
      %jit3A_59 = arith.constant 8192 : i32
      %broadcast_in_dim3A_60 = vector.broadcast %jit3A_59 : i32 to vector<8x8192xi32>
      %select_n3A_61 = arith.select %eq3A_58, %iota3A, %broadcast_in_dim3A_60 : vector<8x8192xi1>, vector<8x8192xi32>
      %reduce_min3A = arith.constant dense<2147483647> : vector<8xi32>
      %reduce_min3A_62 = vector.multi_reduction <minsi>, %select_n3A_61, %reduce_min3A [1] : vector<8x8192xi32> to vector<8xi32>
      scf.yield %min3A, %reduce_min3A_62 : vector<8x8192xf32>, vector<8xi32>
    }
    %scan3A_15 = arith.constant 832 : i32
    return
  }
}

module attributes {stable_mosaic.version = 14 : i64} {
  func.func @_knn_body(%arg0: i32, %arg1: i32, %arg2: memref<1x64x3xf32, #tpu.memory_space<vmem>>, %arg3: memref<1x8192x3xf32, #tpu.memory_space<vmem>>, %arg4: memref<1x1x32x64xi32, #tpu.memory_space<vmem>>) attributes {dimension_semantics = [#tpu.dimension_semantics<parallel>, #tpu.dimension_semantics<parallel>], iteration_bounds = array<i64: 32, 4>, scalar_prefetch = 0 : i64, scratch_operands = 0 : i64, tpu.core_type = #tpu.core_type<tc>, window_params = [{transform_indices = @transform_0, window_bounds = array<i64: 1, 64, 3>}, {transform_indices = @transform_1, window_bounds = array<i64: 1, 8192, 3>}, {transform_indices = @transform_2, window_bounds = array<i64: 1, 1, 32, 64>}]} {
    %get3A = arith.constant 0 : index
    %get3A_0 = arith.constant 0 : index
    %get3A_1 = arith.constant 0 : index
    %get3A_2 = vector.load %arg2[%get3A, %get3A_0, %get3A_1] : memref<1x64x3xf32, #tpu.memory_space<vmem>>, vector<1x64x3xf32>
    %get3A_3 = vector.shape_cast %get3A_2 : vector<1x64x3xf32> to vector<64x3xf32>
    %get3A_4 = arith.constant 0 : index
    %get3A_5 = arith.constant 0 : index
    %get3A_6 = arith.constant 0 : index
    %get3A_7 = vector.load %arg3[%get3A_4, %get3A_5, %get3A_6] : memref<1x8192x3xf32, #tpu.memory_space<vmem>>, vector<1x8192x3xf32>
    %get3A_8 = vector.shape_cast %get3A_7 : vector<1x8192x3xf32> to vector<8192x3xf32>
    %mul3A = arith.mulf %get3A_3, %get3A_3 : vector<64x3xf32>
    %reduce_sum3A = arith.constant dense<0.000000e+00> : vector<64xf32>
    %reduce_sum3A_9 = vector.multi_reduction <add>, %mul3A, %reduce_sum3A [1] : vector<64x3xf32> to vector<64xf32>
    %mul3A_10 = arith.mulf %get3A_8, %get3A_8 : vector<8192x3xf32>
    %reduce_sum3A_11 = arith.constant dense<0.000000e+00> : vector<8192xf32>
    %reduce_sum3A_12 = vector.multi_reduction <add>, %mul3A_10, %reduce_sum3A_11 [1] : vector<8192x3xf32> to vector<8192xf32>
    %dot_general3A = arith.constant dense<0.000000e+00> : vector<64x8192xf32>
    %dot_general3A_13 = tpu.matmul %get3A_3, %get3A_8, %dot_general3A {dimension_numbers = #tpu.dot_dimension_numbers<[1], [1], [0], [0], [0, 0, 1, 0], [], []>, transpose_lhs_hint = false} : vector<64x3xf32>, vector<8192x3xf32>, vector<64x8192xf32> -> vector<64x8192xf32>
    %broadcast_in_dim3A = vector.shape_cast %reduce_sum3A_9 : vector<64xf32> to vector<64x1xf32>
    %broadcast_in_dim3A_14 = vector.shape_cast %reduce_sum3A_12 : vector<8192xf32> to vector<1x8192xf32>
    %add3A = vector.broadcast %broadcast_in_dim3A : vector<64x1xf32> to vector<64x8192xf32>
    %add3A_15 = vector.broadcast %broadcast_in_dim3A_14 : vector<1x8192xf32> to vector<64x8192xf32>
    %add3A_16 = arith.addf %add3A, %add3A_15 : vector<64x8192xf32>
    %mul3A_17 = arith.constant 2.000000e+00 : f32
    %mul3A_18 = vector.broadcast %mul3A_17 : f32 to vector<64x8192xf32>
    %mul3A_19 = arith.mulf %mul3A_18, %dot_general3A_13 : vector<64x8192xf32>
    %sub3A = arith.subf %add3A_16, %mul3A_19 : vector<64x8192xf32>
    %iota3A = tpu.iota {dimensions = array<i32: 1>} : vector<64x8192xi32>
    %reduce_min3A = arith.constant dense<0x7F800000> : vector<64xf32>
    %reduce_min3A_20 = vector.multi_reduction <minimumf>, %sub3A, %reduce_min3A [1] : vector<64x8192xf32> to vector<64xf32>
    %broadcast_in_dim3A_21 = vector.shape_cast %reduce_min3A_20 : vector<64xf32> to vector<64x1xf32>
    %eq3A = vector.broadcast %broadcast_in_dim3A_21 : vector<64x1xf32> to vector<64x8192xf32>
    %eq3A_22 = arith.cmpf oeq, %sub3A, %eq3A : vector<64x8192xf32>
    %jit3A = arith.constant 1073741824 : i32
    %broadcast_in_dim3A_23 = vector.broadcast %jit3A : i32 to vector<64x8192xi32>
    %select_n3A = arith.select %eq3A_22, %iota3A, %broadcast_in_dim3A_23 : vector<64x8192xi1>, vector<64x8192xi32>
    %reduce_min3A_24 = arith.constant dense<2147483647> : vector<64xi32>
    %reduce_min3A_25 = vector.multi_reduction <minsi>, %select_n3A, %reduce_min3A_24 [1] : vector<64x8192xi32> to vector<64xi32>
    %broadcast_in_dim3A_26 = vector.shape_cast %reduce_min3A_25 : vector<64xi32> to vector<64x1xi32>
    %reshape3A = vector.shape_cast %broadcast_in_dim3A_26 : vector<64x1xi32> to vector<1x64xi32>
    %swap3A = arith.constant 0 : index
    %swap3A_27 = arith.constant 0 : index
    %swap3A_28 = arith.constant 0 : index
    %swap3A_29 = arith.constant 0 : index
    %swap3A_30 = vector.load %arg4[%swap3A, %swap3A_27, %swap3A_28, %swap3A_29] : memref<1x1x32x64xi32, #tpu.memory_space<vmem>>, vector<1x1x1x64xi32>
    %swap3A_31 = vector.shape_cast %swap3A_30 : vector<1x1x1x64xi32> to vector<1x64xi32>
    %swap3A_32 = vector.shape_cast %reshape3A : vector<1x64xi32> to vector<1x1x1x64xi32>
    tpu.vector_store %arg4[%swap3A, %swap3A_27, %swap3A_28, %swap3A_29], %swap3A_32 {strides = array<i32>} : memref<1x1x32x64xi32, #tpu.memory_space<vmem>>, vector<1x1x1x64xi32>,
    %eq3A_33 = vector.broadcast %broadcast_in_dim3A_26 : vector<64x1xi32> to vector<64x8192xi32>
    %eq3A_34 = arith.cmpi eq, %iota3A, %eq3A_33 : vector<64x8192xi32>
    %and3A = arith.andi %eq3A_22, %eq3A_34 : vector<64x8192xi1>
    %jit3A_35 = arith.constant 0x7F800000 : f32
    %broadcast_in_dim3A_36 = vector.broadcast %jit3A_35 : f32 to vector<64x8192xf32>
    %select_n3A_37 = arith.select %and3A, %broadcast_in_dim3A_36, %sub3A : vector<64x8192xi1>, vector<64x8192xf32>
    %reduce_min3A_38 = arith.constant dense<0x7F800000> : vector<64xf32>
    %reduce_min3A_39 = vector.multi_reduction <minimumf>, %select_n3A_37, %reduce_min3A_38 [1] : vector<64x8192xf32> to vector<64xf32>
    %broadcast_in_dim3A_40 = vector.shape_cast %reduce_min3A_39 : vector<64xf32> to vector<64x1xf32>
    %eq3A_41 = vector.broadcast %broadcast_in_dim3A_40 : vector<64x1xf32> to vector<64x8192xf32>
    %eq3A_42 = arith.cmpf oeq, %select_n3A_37, %eq3A_41 : vector<64x8192xf32>
    %jit3A_43 = arith.constant 1073741824 : i32
    %broadcast_in_dim3A_44 = vector.broadcast %jit3A_43 : i32 to vector<64x8192xi32>
    %select_n3A_45 = arith.select %eq3A_42, %iota3A, %broadcast_in_dim3A_44 : vector<64x8192xi1>, vector<64x8192xi32>
    %reduce_min3A_46 = arith.constant dense<2147483647> : vector<64xi32>
    %reduce_min3A_47 = vector.multi_reduction <minsi>, %select_n3A_45, %reduce_min3A_46 [1] : vector<64x8192xi32> to vector<64xi32>
    %broadcast_in_dim3A_48 = vector.shape_cast %reduce_min3A_47 : vector<64xi32> to vector<64x1xi32>
    %reshape3A_49 = vector.shape_cast %broadcast_in_dim3A_48 : vector<64x1xi32> to vector<1x64xi32>
    %swap3A_50 = arith.constant 0 : index
    %swap3A_51 = arith.constant 0 : index
    %swap3A_52 = arith.constant 1 : index
    %swap3A_53 = arith.constant 0 : index
    %swap3A_54 = vector.load %arg4[%swap3A_50, %swap3A_51, %swap3A_52, %swap3A_53] : memref<1x1x32x64xi32, #tpu.memory_space<vmem>>, vector<1x1x1x64xi32>
    %swap3A_55 = vector.shape_cast %swap3A_54 : vector<1x1x1x64xi32> to vector<1x64xi32>
    %swap3A_56 = vector.shape_cast %reshape3A_49 : vector<1x64xi32> to vector<1x1x1x64xi32>
    tpu.vector_store %arg4[%swap3A_50, %swap3A_51, %swap3A_52, %swap3A_53], %swap3A_56 {strides = array<i32>} : memref<1x1x32x64xi32, #tpu.memory_space<vmem>>, vector<1x1x1x64xi32>,
    %eq3A_57 = vector.broadcast %broadcast_in_dim3A_48 : vector<64x1xi32> to vector<64x8192xi32>
    %eq3A_58 = arith.cmpi eq, %iota3A, %eq3A_57 : vector<64x8192xi32>
    %and3A_59 = arith.andi %eq3A_42, %eq3A_58 : vector<64x8192xi1>
    %jit3A_60 = arith.constant 0x7F800000 : f32
    %broadcast_in_dim3A_61 = vector.broadcast %jit3A_60 : f32 to vector<64x8192xf32>
    %select_n3A_62 = arith.select %and3A_59, %broadcast_in_dim3A_61, %select_n3A_37 : vector<64x8192xi1>, vector<64x8192xf32>
    %reduce_min3A_63 = arith.constant dense<0x7F800000> : vector<64xf32>
    %reduce_min3A_64 = vector.multi_reduction <minimumf>, %select_n3A_62, %reduce_min3A_63 [1] : vector<64x8192xf32> to vector<64xf32>
    %broadcast_in_dim3A_65 = vector.shape_cast %reduce_min3A_64 : vector<64xf32> to vector<64x1xf32>
    %eq3A_66 = vector.broadcast %broadcast_in_dim3A_65 : vector<64x1xf32> to vector<64x8192xf32>
    %eq3A_67 = arith.cmpf oeq, %select_n3A_62, %eq3A_66 : vector<64x8192xf32>
    %jit3A_68 = arith.constant 1073741824 : i32
    %broadcast_in_dim3A_69 = vector.broadcast %jit3A_68 : i32 to vector<64x8192xi32>
    %select_n3A_70 = arith.select %eq3A_67, %iota3A, %broadcast_in_dim3A_69 : vector<64x8192xi1>, vector<64x8192xi32>
    %reduce_min3A_71 = arith.constant dense<2147483647> : vector<64xi32>
    %reduce_min3A_72 = vector.multi_reduction <minsi>, %select_n3A_70, %reduce_min3A_71 [1] : vector<64x8192xi32> to vector<64xi32>
    %broadcast_in_dim3A_73 = vector.shape_cast %reduce_min3A_72 : vector<64xi32> to vector<64x1xi32>
    %reshape3A_74 = vector.shape_cast %broadcast_in_dim3A_73 : vector<64x1xi32> to vector<1x64xi32>
    %swap3A_75 = arith.constant 0 : index
    %swap3A_76 = arith.constant 0 : index
    %swap3A_77 = arith.constant 2 : index
    %swap3A_78 = arith.constant 0 : index
    %swap3A_79 = vector.load %arg4[%swap3A_75, %swap3A_76, %swap3A_77, %swap3A_78] : memref<1x1x32x64xi32, #tpu.memory_space<vmem>>, vector<1x1x1x64xi32>
    %swap3A_80 = vector.shape_cast %swap3A_79 : vector<1x1x1x64xi32> to vector<1x64xi32>
    %swap3A_81 = vector.shape_cast %reshape3A_74 : vector<1x64xi32> to vector<1x1x1x64xi32>
    tpu.vector_store %arg4[%swap3A_75, %swap3A_76, %swap3A_77, %swap3A_78], %swap3A_81 {strides = array<i32>} : memref<1x1x32x64xi32, #tpu.memory_space<vmem>>, vector<1x1x1x64xi32>,
    %eq3A_82 = vector.broadcast %broadcast_in_dim3A_73 : vector<64x1xi32> to vector<64x8192xi32>
    %eq3A_83 = arith.cmpi eq, %iota3A, %eq3A_82 : vector<64x8192xi32>
    %and3A_84 = arith.andi %eq3A_67, %eq3A_83 : vector<64x8192xi1>
    %jit3A_85 = arith.constant 0x7F800000 : f32
    %broadcast_in_dim3A_86 = vector.broadcast %jit3A_85 : f32 to vector<64x8192xf32>
    %select_n3A_87 = arith.select %and3A_84, %broadcast_in_dim3A_86, %select_n3A_62 : vector<64x8192xi1>, vector<64x8192xf32>
    %reduce_min3A_88 = arith.constant dense<0x7F800000> : vector<64xf32>
    %reduce_min3A_89 = vector.multi_reduction <minimumf>, %select_n3A_87, %reduce_min3A_88 [1] : vector<64x8192xf32> to vector<64xf32>
    %broadcast_in_dim3A_90 = vector.shape_cast %reduce_min3A_89 : vector<64xf32> to vector<64x1xf32>
    %eq3A_91 = vector.broadcast %broadcast_in_dim3A_90 : vector<64x1xf32> to vector<64x8192xf32>
    %eq3A_92 = arith.cmpf oeq, %select_n3A_87, %eq3A_91 : vector<64x8192xf32>
    %jit3A_93 = arith.constant 1073741824 : i32
    %broadcast_in_dim3A_94 = vector.broadcast %jit3A_93 : i32 to vector<64x8192xi32>
    %select_n3A_95 = arith.select %eq3A_92, %iota3A, %broadcast_in_dim3A_94 : vector<64x8192xi1>, vector<64x8192xi32>
    %reduce_min3A_96 = arith.constant dense<2147483647> : vector<64xi32>
    %reduce_min3A_97 = vector.multi_reduction <minsi>, %select_n3A_95, %reduce_min3A_96 [1] : vector<64x8192xi32> to vector<64xi32>
    %broadcast_in_dim3A_98 = vector.shape_cast %reduce_min3A_97 : vector<64xi32> to vector<64x1xi32>
    %reshape3A_99 = vector.shape_cast %broadcast_in_dim3A_98 : vector<64x1xi32> to vector<1x64xi32>
    %swap3A_100 = arith.constant 0 : index
    %swap3A_101 = arith.constant 0 : index
    %swap3A_102 = arith.constant 3 : index
    %swap3A_103 = arith.constant 0 : index
    %swap3A_104 = vector.load %arg4[%swap3A_100, %swap3A_101, %swap3A_102, %swap3A_103] : memref<1x1x32x64xi32, #tpu.memory_space<vmem>>, vector<1x1x1x64xi32>
    %swap3A_105 = vector.shape_cast %swap3A_104 : vector<1x1x1x64xi32> to vector<1x64xi32>
    %swap3A_106 = vector.shape_cast %reshape3A_99 : vector<1x64xi32> to vector<1x1x1x64xi32>
    tpu.vector_store %arg4[%swap3A_100, %swap3A_101, %swap3A_102, %swap3A_103], %swap3A_106 {strides = array<i32>} : memref<1x1x32x64xi32, #tpu.memory_space<vmem>>, vector<1x1x1x64xi32>,
    %eq3A_107 = vector.broadcast %broadcast_in_dim3A_98 : vector<64x1xi32> to vector<64x8192xi32>
    %eq3A_108 = arith.cmpi eq, %iota3A, %eq3A_107 : vector<64x8192xi32>
    %and3A_109 = arith.andi %eq3A_92, %eq3A_108 : vector<64x8192xi1>
    %jit3A_110 = arith.constant 0x7F800000 : f32
    %broadcast_in_dim3A_111 = vector.broadcast %jit3A_110 : f32 to vector<64x8192xf32>
    %select_n3A_112 = arith.select %and3A_109, %broadcast_in_dim3A_111, %select_n3A_87 : vector<64x8192xi1>, vector<64x8192xf32>
    %reduce_min3A_113 = arith.constant dense<0x7F800000> : vector<64xf32>
    %reduce_min3A_114 = vector.multi_reduction <minimumf>, %select_n3A_112, %reduce_min3A_113 [1] : vector<64x8192xf32> to vector<64xf32>
    %broadcast_in_dim3A_115 = vector.shape_cast %reduce_min3A_114 : vector<64xf32> to vector<64x1xf32>
    %eq3A_116 = vector.broadcast %broadcast_in_dim3A_115 : vector<64x1xf32> to vector<64x8192xf32>
    %eq3A_117 = arith.cmpf oeq, %select_n3A_112, %eq3A_116 : vector<64x8192xf32>
    %jit3A_118 = arith.constant 1073741824 : i32
    %broadcast_in_dim3A_119 = vector.broadcast %jit3A_118 : i32 to vector<64x8192xi32>
    %select_n3A_120 = arith.select %eq3A_117, %iota3A, %broadcast_in_dim3A_119 : vector<64x8192xi1>, vector<64x8192xi32>
    %reduce_min3A_121 = arith.constant dense<2147483647> : vector<64xi32>
    %reduce_min3A_122 = vector.multi_reduction <minsi>, %select_n3A_120, %reduce_min3A_121 [1] : vector<64x8192xi32> to vector<64xi32>
    %broadcast_in_dim3A_123 = vector.shape_cast %reduce_min3A_122 : vector<64xi32> to vector<64x1xi32>
    %reshape3A_124 = vector.shape_cast %broadcast_in_dim3A_123 : vector<64x1xi32> to vector<1x64xi32>
    %swap3A_125 = arith.constant 0 : index
    %swap3A_126 = arith.constant 0 : index
    %swap3A_127 = arith.constant 4 : index
    %swap3A_128 = arith.constant 0 : index
    %swap3A_129 = vector.load %arg4[%swap3A_125, %swap3A_126, %swap3A_127, %swap3A_128] : memref<1x1x32x64xi32, #tpu.memory_space<vmem>>, vector<1x1x1x64xi32>
    %swap3A_130 = vector.shape_cast %swap3A_129 : vector<1x1x1x64xi32> to vector<1x64xi32>
    %swap3A_131 = vector.shape_cast %reshape3A_124 : vector<1x64xi32> to vector<1x1x1x64xi32>
    tpu.vector_store %arg4[%swap3A_125, %swap3A_126, %swap3A_127, %swap3A_128], %swap3A_131 {strides = array<i32>} : memref<1x1x32x64xi32, #tpu.memory_space<vmem>>, vector<1x1x1x64xi32>,
    %eq3A_132 = vector.broadcast %broadcast_in_dim3A_123 : vector<64x1xi32> to vector<64x8192xi32>
    %eq3A_133 = arith.cmpi eq, %iota3A, %eq3A_132 : vector<64x8192xi32>
    %and3A_134 = arith.andi %eq3A_117, %eq3A_133 : vector<64x8192xi1>
    %jit3A_135 = arith.constant 0x7F800000 : f32
    %broadcast_in_dim3A_136 = vector.broadcast %jit3A_135 : f32 to vector<64x8192xf32>
    %select_n3A_137 = arith.select %and3A_134, %broadcast_in_dim3A_136, %select_n3A_112 : vector<64x8192xi1>, vector<64x8192xf32>
    %reduce_min3A_138 = arith.constant dense<0x7F800000> : vector<64xf32>
    %reduce_min3A_139 = vector.multi_reduction <minimumf>, %select_n3A_137, %reduce_min3A_138 [1] : vector<64x8192xf32> to vector<64xf32>
    %broadcast_in_dim3A_140 = vector.shape_cast %reduce_min3A_139 : vector<64xf32> to vector<64x1xf32>
    %eq3A_141 = vector.broadcast %broadcast_in_dim3A_140 : vector<64x1xf32> to vector<64x8192xf32>
    %eq3A_142 = arith.cmpf oeq, %select_n3A_137, %eq3A_141 : vector<64x8192xf32>
    %jit3A_143 = arith.constant 1073741824 : i32
    %broadcast_in_dim3A_144 = vector.broadcast %jit3A_143 : i32 to vector<64x8192xi32>
    %select_n3A_145 = arith.select %eq3A_142, %iota3A, %broadcast_in_dim3A_144 : vector<64x8192xi1>, vector<64x8192xi32>
    %reduce_min3A_146 = arith.constant dense<2147483647> : vector<64xi32>
    %reduce_min3A_147 = vector.multi_reduction <minsi>, %select_n3A_145, %reduce_min3A_146 [1] : vector<64x8192xi32> to vector<64xi32>
    %broadcast_in_dim3A_148 = vector.shape_cast %reduce_min3A_147 : vector<64xi32> to vector<64x1xi32>
    %reshape3A_149 = vector.shape_cast %broadcast_in_dim3A_148 : vector<64x1xi32> to vector<1x64xi32>
    %swap3A_150 = arith.constant 0 : index
    %swap3A_151 = arith.constant 0 : index
    %swap3A_152 = arith.constant 5 : index
    %swap3A_153 = arith.constant 0 : index
    %swap3A_154 = vector.load %arg4[%swap3A_150, %swap3A_151, %swap3A_152, %swap3A_153] : memref<1x1x32x64xi32, #tpu.memory_space<vmem>>, vector<1x1x1x64xi32>
    %swap3A_155 = vector.shape_cast %swap3A_154 : vector<1x1x1x64xi32> to vector<1x64xi32>
    %swap3A_156 = vector.shape_cast %reshape3A_149 : vector<1x64xi32> to vector<1x1x1x64xi32>
    tpu.vector_store %arg4[%swap3A_150, %swap3A_151, %swap3A_152, %swap3A_153], %swap3A_156 {strides = array<i32>} : memref<1x1x32x64xi32, #tpu.memory_space<vmem>>, vector<1x1x1x64xi32>,
    %eq3A_157 = vector.broadcast %broadcast_in_dim3A_148 : vector<64x1xi32> to vector<64x8192xi32>
    %eq3A_158 = arith.cmpi eq, %iota3A, %eq3A_157 : vector<64x8192xi32>
    %and3A_159 = arith.andi %eq3A_142, %eq3A_158 : vector<64x8192xi1>
    %jit3A_160 = arith.constant 0x7F800000 : f32
    %broadcast_in_dim3A_161 = vector.broadcast %jit3A_160 : f32 to vector<64x8192xf32>
    %select_n3A_162 = arith.select %and3A_159, %broadcast_in_dim3A_161, %select_n3A_137 : vector<64x8192xi1>, vector<64x8192xf32>
    %reduce_min3A_163 = arith.constant dense<0x7F800000> : vector<64xf32>
    %reduce_min3A_164 = vector.multi_reduction <minimumf>, %select_n3A_162, %reduce_min3A_163 [1] : vector<64x8192xf32> to vector<64xf32>
    %broadcast_in_dim3A_165 = vector.shape_cast %reduce_min3A_164 : vector<64xf32> to vector<64x1xf32>
    %eq3A_166 = vector.broadcast %broadcast_in_dim3A_165 : vector<64x1xf32> to vector<64x8192xf32>
    %eq3A_167 = arith.cmpf oeq, %select_n3A_162, %eq3A_166 : vector<64x8192xf32>
    %jit3A_168 = arith.constant 1073741824 : i32
    %broadcast_in_dim3A_169 = vector.broadcast %jit3A_168 : i32 to vector<64x8192xi32>
    %select_n3A_170 = arith.select %eq3A_167, %iota3A, %broadcast_in_dim3A_169 : vector<64x8192xi1>, vector<64x8192xi32>
    %reduce_min3A_171 = arith.constant dense<2147483647> : vector<64xi32>
    %reduce_min3A_172 = vector.multi_reduction <minsi>, %select_n3A_170, %reduce_min3A_171 [1] : vector<64x8192xi32> to vector<64xi32>
    %broadcast_in_dim3A_173 = vector.shape_cast %reduce_min3A_172 : vector<64xi32> to vector<64x1xi32>
    %reshape3A_174 = vector.shape_cast %broadcast_in_dim3A_173 : vector<64x1xi32> to vector<1x64xi32>
    %swap3A_175 = arith.constant 0 : index
    %swap3A_176 = arith.constant 0 : index
    %swap3A_177 = arith.constant 6 : index
    %swap3A_178 = arith.constant 0 : index
    %swap3A_179 = vector.load %arg4[%swap3A_175, %swap3A_176, %swap3A_177, %swap3A_178] : memref<1x1x32x64xi32, #tpu.memory_space<vmem>>, vector<1x1x1x64xi32>
    %swap3A_180 = vector.shape_cast %swap3A_179 : vector<1x1x1x64xi32> to vector<1x64xi32>
    %swap3A_181 = vector.shape_cast %reshape3A_174 : vector<1x64xi32> to vector<1x1x1x64xi32>
    tpu.vector_store %arg4[%swap3A_175, %swap3A_176, %swap3A_177, %swap3A_178], %swap3A_181 {strides = array<i32>} : memref<1x1x32x64xi32, #tpu.memory_space<vmem>>, vector<1x1x1x64xi32>,
    %eq3A_182 = vector.broadcast %broadcast_in_dim3A_173 : vector<64x1xi32> to vector<64x8192xi32>
    %eq3A_183 = arith.cmpi eq, %iota3A, %eq3A_182 : vector<64x8192xi32>
    %and3A_184 = arith.andi %eq3A_167, %eq3A_183 : vector<64x8192xi1>
    %jit3A_185 = arith.constant 0x7F800000 : f32
    %broadcast_in_dim3A_186 = vector.broadcast %jit3A_185 : f32 to vector<64x8192xf32>
    %select_n3A_187 = arith.select %and3A_184, %broadcast_in_dim3A_186, %select_n3A_162 : vector<64x8192xi1>, vector<64x8192xf32>
    %reduce_min3A_188 = arith.constant dense<0x7F800000> : vector<64xf32>
    %reduce_min3A_189 = vector.multi_reduction <minimumf>, %select_n3A_187, %reduce_min3A_188 [1] : vector<64x8192xf32> to vector<64xf32>
    %broadcast_in_dim3A_190 = vector.shape_cast %reduce_min3A_189 : vector<64xf32> to vector<64x1xf32>
    %eq3A_191 = vector.broadcast %broadcast_in_dim3A_190 : vector<64x1xf32> to vector<64x8192xf32>
    %eq3A_192 = arith.cmpf oeq, %select_n3A_187, %eq3A_191 : vector<64x8192xf32>
    %jit3A_193 = arith.constant 1073741824 : i32
    %broadcast_in_dim3A_194 = vector.broadcast %jit3A_193 : i32 to vector<64x8192xi32>
    %select_n3A_195 = arith.select %eq3A_192, %iota3A, %broadcast_in_dim3A_194 : vector<64x8192xi1>, vector<64x8192xi32>
    %reduce_min3A_196 = arith.constant dense<2147483647> : vector<64xi32>
    %reduce_min3A_197 = vector.multi_reduction <minsi>, %select_n3A_195, %reduce_min3A_196 [1] : vector<64x8192xi32> to vector<64xi32>
    %broadcast_in_dim3A_198 = vector.shape_cast %reduce_min3A_197 : vector<64xi32> to vector<64x1xi32>
    %reshape3A_199 = vector.shape_cast %broadcast_in_dim3A_198 : vector<64x1xi32> to vector<1x64xi32>
    %swap3A_200 = arith.constant 0 : index
    %swap3A_201 = arith.constant 0 : index
    %swap3A_202 = arith.constant 7 : index
    %swap3A_203 = arith.constant 0 : index
    %swap3A_204 = vector.load %arg4[%swap3A_200, %swap3A_201, %swap3A_202, %swap3A_203] : memref<1x1x32x64xi32, #tpu.memory_space<vmem>>, vector<1x1x1x64xi32>
    %swap3A_205 = vector.shape_cast %swap3A_204 : vector<1x1x1x64xi32> to vector<1x64xi32>
    %swap3A_206 = vector.shape_cast %reshape3A_199 : vector<1x64xi32> to vector<1x1x1x64xi32>
    tpu.vector_store %arg4[%swap3A_200, %swap3A_201, %swap3A_202, %swap3A_203], %swap3A_206 {strides = array<i32>} : memref<1x1x32x64xi32, #tpu.memory_space<vmem>>, vector<1x1x1x64xi32>,
    %eq3A_207 = vector.broadcast %broadcast_in_dim3A_198 : vector<64x1xi32> to vector<64x8192xi32>
    %eq3A_208 = arith.cmpi eq, %iota3A, %eq3A_207 : vector<64x8192xi32>
    %and3A_209 = arith.andi %eq3A_192, %eq3A_208 : vector<64x8192xi1>
    %jit3A_210 = arith.constant 0x7F800000 : f32
    %broadcast_in_dim3A_211 = vector.broadcast %jit3A_210 : f32 to vector<64x8192xf32>
    %select_n3A_212 = arith.select %and3A_209, %broadcast_in_dim3A_211, %select_n3A_187 : vector<64x8192xi1>, vector<64x8192xf32>
    %reduce_min3A_213 = arith.constant dense<0x7F800000> : vector<64xf32>
    %reduce_min3A_214 = vector.multi_reduction <minimumf>, %select_n3A_212, %reduce_min3A_213 [1] : vector<64x8192xf32> to vector<64xf32>
    %broadcast_in_dim3A_215 = vector.shape_cast %reduce_min3A_214 : vector<64xf32> to vector<64x1xf32>
    %eq3A_216 = vector.broadcast %broadcast_in_dim3A_215 : vector<64x1xf32> to vector<64x8192xf32>
    %eq3A_217 = arith.cmpf oeq, %select_n3A_212, %eq3A_216 : vector<64x8192xf32>
    %jit3A_218 = arith.constant 1073741824 : i32
    %broadcast_in_dim3A_219 = vector.broadcast %jit3A_218 : i32 to vector<64x8192xi32>
    %select_n3A_220 = arith.select %eq3A_217, %iota3A, %broadcast_in_dim3A_219 : vector<64x8192xi1>, vector<64x8192xi32>
    %reduce_min3A_221 = arith.constant dense<2147483647> : vector<64xi32>
    %reduce_min3A_222 = vector.multi_reduction <minsi>, %select_n3A_220, %reduce_min3A_221 [1] : vector<64x8192xi32> to vector<64xi32>
    %broadcast_in_dim3A_223 = vector.shape_cast %reduce_min3A_222 : vector<64xi32> to vector<64x1xi32>
    %reshape3A_224 = vector.shape_cast %broadcast_in_dim3A_223 : vector<64x1xi32> to vector<1x64xi32>
    %swap3A_225 = arith.constant 0 : index
    %swap3A_226 = arith.constant 0 : index
    %swap3A_227 = arith.constant 8 : index
    %swap3A_228 = arith.constant 0 : index
    %swap3A_229 = vector.load %arg4[%swap3A_225, %swap3A_226, %swap3A_227, %swap3A_228] : memref<1x1x32x64xi32, #tpu.memory_space<vmem>>, vector<1x1x1x64xi32>
    %swap3A_230 = vector.shape_cast %swap3A_229 : vector<1x1x1x64xi32> to vector<1x64xi32>
    %swap3A_231 = vector.shape_cast %reshape3A_224 : vector<1x64xi32> to vector<1x1x1x64xi32>
    tpu.vector_store %arg4[%swap3A_225, %swap3A_226, %swap3A_227, %swap3A_228], %swap3A_231 {strides = array<i32>} : memref<1x1x32x64xi32, #tpu.memory_space<vmem>>, vector<1x1x1x64xi32>,
    %eq3A_232 = vector.broadcast %broadcast_in_dim3A_223 : vector<64x1xi32> to vector<64x8192xi32>
    %eq3A_233 = arith.cmpi eq, %iota3A, %eq3A_232 : vector<64x8192xi32>
    %and3A_234 = arith.andi %eq3A_217, %eq3A_233 : vector<64x8192xi1>
    %jit3A_235 = arith.constant 0x7F800000 : f32
    %broadcast_in_dim3A_236 = vector.broadcast %jit3A_235 : f32 to vector<64x8192xf32>
    %select_n3A_237 = arith.select %and3A_234, %broadcast_in_dim3A_236, %select_n3A_212 : vector<64x8192xi1>, vector<64x8192xf32>
    %reduce_min3A_238 = arith.constant dense<0x7F800000> : vector<64xf32>
    %reduce_min3A_239 = vector.multi_reduction <minimumf>, %select_n3A_237, %reduce_min3A_238 [1] : vector<64x8192xf32> to vector<64xf32>
    %broadcast_in_dim3A_240 = vector.shape_cast %reduce_min3A_239 : vector<64xf32> to vector<64x1xf32>
    %eq3A_241 = vector.broadcast %broadcast_in_dim3A_240 : vector<64x1xf32> to vector<64x8192xf32>
    %eq3A_242 = arith.cmpf oeq, %select_n3A_237, %eq3A_241 : vector<64x8192xf32>
    %jit3A_243 = arith.constant 1073741824 : i32
    %broadcast_in_dim3A_244 = vector.broadcast %jit3A_243 : i32 to vector<64x8192xi32>
    %select_n3A_245 = arith.select %eq3A_242, %iota3A, %broadcast_in_dim3A_244 : vector<64x8192xi1>, vector<64x8192xi32>
    %reduce_min3A_246 = arith.constant dense<2147483647> : vector<64xi32>
    %reduce_min3A_247 = vector.multi_reduction <minsi>, %select_n3A_245, %reduce_min3A_246 [1] : vector<64x8192xi32> to vector<64xi32>
    %broadcast_in_dim3A_248 = vector.shape_cast %reduce_min3A_247 : vector<64xi32> to vector<64x1xi32>
    %reshape3A_249 = vector.shape_cast %broadcast_in_dim3A_248 : vector<64x1xi32> to vector<1x64xi32>
    %swap3A_250 = arith.constant 0 : index
    %swap3A_251 = arith.constant 0 : index
    %swap3A_252 = arith.constant 9 : index
    %swap3A_253 = arith.constant 0 : index
    %swap3A_254 = vector.load %arg4[%swap3A_250, %swap3A_251, %swap3A_252, %swap3A_253] : memref<1x1x32x64xi32, #tpu.memory_space<vmem>>, vector<1x1x1x64xi32>
    %swap3A_255 = vector.shape_cast %swap3A_254 : vector<1x1x1x64xi32> to vector<1x64xi32>
    %swap3A_256 = vector.shape_cast %reshape3A_249 : vector<1x64xi32> to vector<1x1x1x64xi32>
    tpu.vector_store %arg4[%swap3A_250, %swap3A_251, %swap3A_252, %swap3A_253], %swap3A_256 {strides = array<i32>} : memref<1x1x32x64xi32, #tpu.memory_space<vmem>>, vector<1x1x1x64xi32>,
    %eq3A_257 = vector.broadcast %broadcast_in_dim3A_248 : vector<64x1xi32> to vector<64x8192xi32>
    %eq3A_258 = arith.cmpi eq, %iota3A, %eq3A_257 : vector<64x8192xi32>
    %and3A_259 = arith.andi %eq3A_242, %eq3A_258 : vector<64x8192xi1>
    %jit3A_260 = arith.constant 0x7F800000 : f32
    %broadcast_in_dim3A_261 = vector.broadcast %jit3A_260 : f32 to vector<64x8192xf32>
    %select_n3A_262 = arith.select %and3A_259, %broadcast_in_dim3A_261, %select_n3A_237 : vector<64x8192xi1>, vector<64x8192xf32>
    %reduce_min3A_263 = arith.constant dense<0x7F800000> : vector<64xf32>
    %reduce_min3A_264 = vector.multi_reduction <minimumf>, %select_n3A_262, %reduce_min3A_263 [1] : vector<64x8192xf32> to vector<64xf32>
    %broadcast_in_dim3A_265 = vector.shape_cast %reduce_min3A_264 : vector<64xf32> to vector<64x1xf32>
    %eq3A_266 = vector.broadcast %broadcast_in_dim3A_265 : vector<64x1xf32> to vector<64x8192xf32>
    %eq3A_267 = arith.cmpf oeq, %select_n3A_262, %eq3A_266 : vector<64x8192xf32>
    %jit3A_268 = arith.constant 1073741824 : i32
    %broadcast_in_dim3A_269 = vector.broadcast %jit3A_268 : i32 to vector<64x8192xi32>
    %select_n3A_270 = arith.select %eq3A_267, %iota3A, %broadcast_in_dim3A_269 : vector<64x8192xi1>, vector<64x8192xi32>
    %reduce_min3A_271 = arith.constant dense<2147483647> : vector<64xi32>
    %reduce_min3A_272 = vector.multi_reduction <minsi>, %select_n3A_270, %reduce_min3A_271 [1] : vector<64x8192xi32> to vector<64xi32>
    %broadcast_in_dim3A_273 = vector.shape_cast %reduce_min3A_272 : vector<64xi32> to vector<64x1xi32>
    %reshape3A_274 = vector.shape_cast %broadcast_in_dim3A_273 : vector<64x1xi32> to vector<1x64xi32>
    %swap3A_275 = arith.constant 0 : index
    %swap3A_276 = arith.constant 0 : index
    %swap3A_277 = arith.constant 10 : index
    %swap3A_278 = arith.constant 0 : index
    %swap3A_279 = vector.load %arg4[%swap3A_275, %swap3A_276, %swap3A_277, %swap3A_278] : memref<1x1x32x64xi32, #tpu.memory_space<vmem>>, vector<1x1x1x64xi32>
    %swap3A_280 = vector.shape_cast %swap3A_279 : vector<1x1x1x64xi32> to vector<1x64xi32>
    %swap3A_281 = vector.shape_cast %reshape3A_274 : vector<1x64xi32> to vector<1x1x1x64xi32>
    tpu.vector_store %arg4[%swap3A_275, %swap3A_276, %swap3A_277, %swap3A_278], %swap3A_281 {strides = array<i32>} : memref<1x1x32x64xi32, #tpu.memory_space<vmem>>, vector<1x1x1x64xi32>,
    %eq3A_282 = vector.broadcast %broadcast_in_dim3A_273 : vector<64x1xi32> to vector<64x8192xi32>
    %eq3A_283 = arith.cmpi eq, %iota3A, %eq3A_282 : vector<64x8192xi32>
    %and3A_284 = arith.andi %eq3A_267, %eq3A_283 : vector<64x8192xi1>
    %jit3A_285 = arith.constant 0x7F800000 : f32
    %broadcast_in_dim3A_286 = vector.broadcast %jit3A_285 : f32 to vector<64x8192xf32>
    %select_n3A_287 = arith.select %and3A_284, %broadcast_in_dim3A_286, %select_n3A_262 : vector<64x8192xi1>, vector<64x8192xf32>
    %reduce_min3A_288 = arith.constant dense<0x7F800000> : vector<64xf32>
    %reduce_min3A_289 = vector.multi_reduction <minimumf>, %select_n3A_287, %reduce_min3A_288 [1] : vector<64x8192xf32> to vector<64xf32>
    %broadcast_in_dim3A_290 = vector.shape_cast %reduce_min3A_289 : vector<64xf32> to vector<64x1xf32>
    %eq3A_291 = vector.broadcast %broadcast_in_dim3A_290 : vector<64x1xf32> to vector<64x8192xf32>
    %eq3A_292 = arith.cmpf oeq, %select_n3A_287, %eq3A_291 : vector<64x8192xf32>
    %jit3A_293 = arith.constant 1073741824 : i32
    %broadcast_in_dim3A_294 = vector.broadcast %jit3A_293 : i32 to vector<64x8192xi32>
    %select_n3A_295 = arith.select %eq3A_292, %iota3A, %broadcast_in_dim3A_294 : vector<64x8192xi1>, vector<64x8192xi32>
    %reduce_min3A_296 = arith.constant dense<2147483647> : vector<64xi32>
    %reduce_min3A_297 = vector.multi_reduction <minsi>, %select_n3A_295, %reduce_min3A_296 [1] : vector<64x8192xi32> to vector<64xi32>
    %broadcast_in_dim3A_298 = vector.shape_cast %reduce_min3A_297 : vector<64xi32> to vector<64x1xi32>
    %reshape3A_299 = vector.shape_cast %broadcast_in_dim3A_298 : vector<64x1xi32> to vector<1x64xi32>
    %swap3A_300 = arith.constant 0 : index
    %swap3A_301 = arith.constant 0 : index
    %swap3A_302 = arith.constant 11 : index
    %swap3A_303 = arith.constant 0 : index
    %swap3A_304 = vector.load %arg4[%swap3A_300, %swap3A_301, %swap3A_302, %swap3A_303] : memref<1x1x32x64xi32, #tpu.memory_space<vmem>>, vector<1x1x1x64xi32>
    %swap3A_305 = vector.shape_cast %swap3A_304 : vector<1x1x1x64xi32> to vector<1x64xi32>
    %swap3A_306 = vector.shape_cast %reshape3A_299 : vector<1x64xi32> to vector<1x1x1x64xi32>
    tpu.vector_store %arg4[%swap3A_300, %swap3A_301, %swap3A_302, %swap3A_303], %swap3A_306 {strides = array<i32>} : memref<1x1x32x64xi32, #tpu.memory_space<vmem>>, vector<1x1x1x64xi32>,
    %eq3A_307 = vector.broadcast %broadcast_in_dim3A_298 : vector<64x1xi32> to vector<64x8192xi32>
    %eq3A_308 = arith.cmpi eq, %iota3A, %eq3A_307 : vector<64x8192xi32>
    %and3A_309 = arith.andi %eq3A_292, %eq3A_308 : vector<64x8192xi1>
    %jit3A_310 = arith.constant 0x7F800000 : f32
    %broadcast_in_dim3A_311 = vector.broadcast %jit3A_310 : f32 to vector<64x8192xf32>
    %select_n3A_312 = arith.select %and3A_309, %broadcast_in_dim3A_311, %select_n3A_287 : vector<64x8192xi1>, vector<64x8192xf32>
    %reduce_min3A_313 = arith.constant dense<0x7F800000> : vector<64xf32>
    %reduce_min3A_314 = vector.multi_reduction <minimumf>, %select_n3A_312, %reduce_min3A_313 [1] : vector<64x8192xf32> to vector<64xf32>
    %broadcast_in_dim3A_315 = vector.shape_cast %reduce_min3A_314 : vector<64xf32> to vector<64x1xf32>
    %eq3A_316 = vector.broadcast %broadcast_in_dim3A_315 : vector<64x1xf32> to vector<64x8192xf32>
    %eq3A_317 = arith.cmpf oeq, %select_n3A_312, %eq3A_316 : vector<64x8192xf32>
    %jit3A_318 = arith.constant 1073741824 : i32
    %broadcast_in_dim3A_319 = vector.broadcast %jit3A_318 : i32 to vector<64x8192xi32>
    %select_n3A_320 = arith.select %eq3A_317, %iota3A, %broadcast_in_dim3A_319 : vector<64x8192xi1>, vector<64x8192xi32>
    %reduce_min3A_321 = arith.constant dense<2147483647> : vector<64xi32>
    %reduce_min3A_322 = vector.multi_reduction <minsi>, %select_n3A_320, %reduce_min3A_321 [1] : vector<64x8192xi32> to vector<64xi32>
    %broadcast_in_dim3A_323 = vector.shape_cast %reduce_min3A_322 : vector<64xi32> to vector<64x1xi32>
    %reshape3A_324 = vector.shape_cast %broadcast_in_dim3A_323 : vector<64x1xi32> to vector<1x64xi32>
    %swap3A_325 = arith.constant 0 : index
    %swap3A_326 = arith.constant 0 : index
    %swap3A_327 = arith.constant 12 : index
    %swap3A_328 = arith.constant 0 : index
    %swap3A_329 = vector.load %arg4[%swap3A_325, %swap3A_326, %swap3A_327, %swap3A_328] : memref<1x1x32x64xi32, #tpu.memory_space<vmem>>, vector<1x1x1x64xi32>
    %swap3A_330 = vector.shape_cast %swap3A_329 : vector<1x1x1x64xi32> to vector<1x64xi32>
    %swap3A_331 = vector.shape_cast %reshape3A_324 : vector<1x64xi32> to vector<1x1x1x64xi32>
    tpu.vector_store %arg4[%swap3A_325, %swap3A_326, %swap3A_327, %swap3A_328], %swap3A_331 {strides = array<i32>} : memref<1x1x32x64xi32, #tpu.memory_space<vmem>>, vector<1x1x1x64xi32>,
    %eq3A_332 = vector.broadcast %broadcast_in_dim3A_323 : vector<64x1xi32> to vector<64x8192xi32>
    %eq3A_333 = arith.cmpi eq, %iota3A, %eq3A_332 : vector<64x8192xi32>
    %and3A_334 = arith.andi %eq3A_317, %eq3A_333 : vector<64x8192xi1>
    %jit3A_335 = arith.constant 0x7F800000 : f32
    %broadcast_in_dim3A_336 = vector.broadcast %jit3A_335 : f32 to vector<64x8192xf32>
    %select_n3A_337 = arith.select %and3A_334, %broadcast_in_dim3A_336, %select_n3A_312 : vector<64x8192xi1>, vector<64x8192xf32>
    %reduce_min3A_338 = arith.constant dense<0x7F800000> : vector<64xf32>
    %reduce_min3A_339 = vector.multi_reduction <minimumf>, %select_n3A_337, %reduce_min3A_338 [1] : vector<64x8192xf32> to vector<64xf32>
    %broadcast_in_dim3A_340 = vector.shape_cast %reduce_min3A_339 : vector<64xf32> to vector<64x1xf32>
    %eq3A_341 = vector.broadcast %broadcast_in_dim3A_340 : vector<64x1xf32> to vector<64x8192xf32>
    %eq3A_342 = arith.cmpf oeq, %select_n3A_337, %eq3A_341 : vector<64x8192xf32>
    %jit3A_343 = arith.constant 1073741824 : i32
    %broadcast_in_dim3A_344 = vector.broadcast %jit3A_343 : i32 to vector<64x8192xi32>
    %select_n3A_345 = arith.select %eq3A_342, %iota3A, %broadcast_in_dim3A_344 : vector<64x8192xi1>, vector<64x8192xi32>
    %reduce_min3A_346 = arith.constant dense<2147483647> : vector<64xi32>
    %reduce_min3A_347 = vector.multi_reduction <minsi>, %select_n3A_345, %reduce_min3A_346 [1] : vector<64x8192xi32> to vector<64xi32>
    %broadcast_in_dim3A_348 = vector.shape_cast %reduce_min3A_347 : vector<64xi32> to vector<64x1xi32>
    %reshape3A_349 = vector.shape_cast %broadcast_in_dim3A_348 : vector<64x1xi32> to vector<1x64xi32>
    %swap3A_350 = arith.constant 0 : index
    %swap3A_351 = arith.constant 0 : index
    %swap3A_352 = arith.constant 13 : index
    %swap3A_353 = arith.constant 0 : index
    %swap3A_354 = vector.load %arg4[%swap3A_350, %swap3A_351, %swap3A_352, %swap3A_353] : memref<1x1x32x64xi32, #tpu.memory_space<vmem>>, vector<1x1x1x64xi32>
    %swap3A_355 = vector.shape_cast %swap3A_354 : vector<1x1x1x64xi32> to vector<1x64xi32>
    %swap3A_356 = vector.shape_cast %reshape3A_349 : vector<1x64xi32> to vector<1x1x1x64xi32>
    tpu.vector_store %arg4[%swap3A_350, %swap3A_351, %swap3A_352, %swap3A_353], %swap3A_356 {strides = array<i32>} : memref<1x1x32x64xi32, #tpu.memory_space<vmem>>, vector<1x1x1x64xi32>,
    %eq3A_357 = vector.broadcast %broadcast_in_dim3A_348 : vector<64x1xi32> to vector<64x8192xi32>
    %eq3A_358 = arith.cmpi eq, %iota3A, %eq3A_357 : vector<64x8192xi32>
    %and3A_359 = arith.andi %eq3A_342, %eq3A_358 : vector<64x8192xi1>
    %jit3A_360 = arith.constant 0x7F800000 : f32
    %broadcast_in_dim3A_361 = vector.broadcast %jit3A_360 : f32 to vector<64x8192xf32>
    %select_n3A_362 = arith.select %and3A_359, %broadcast_in_dim3A_361, %select_n3A_337 : vector<64x8192xi1>, vector<64x8192xf32>
    %reduce_min3A_363 = arith.constant dense<0x7F800000> : vector<64xf32>
    %reduce_min3A_364 = vector.multi_reduction <minimumf>, %select_n3A_362, %reduce_min3A_363 [1] : vector<64x8192xf32> to vector<64xf32>
    %broadcast_in_dim3A_365 = vector.shape_cast %reduce_min3A_364 : vector<64xf32> to vector<64x1xf32>
    %eq3A_366 = vector.broadcast %broadcast_in_dim3A_365 : vector<64x1xf32> to vector<64x8192xf32>
    %eq3A_367 = arith.cmpf oeq, %select_n3A_362, %eq3A_366 : vector<64x8192xf32>
    %jit3A_368 = arith.constant 1073741824 : i32
    %broadcast_in_dim3A_369 = vector.broadcast %jit3A_368 : i32 to vector<64x8192xi32>
    %select_n3A_370 = arith.select %eq3A_367, %iota3A, %broadcast_in_dim3A_369 : vector<64x8192xi1>, vector<64x8192xi32>
    %reduce_min3A_371 = arith.constant dense<2147483647> : vector<64xi32>
    %reduce_min3A_372 = vector.multi_reduction <minsi>, %select_n3A_370, %reduce_min3A_371 [1] : vector<64x8192xi32> to vector<64xi32>
    %broadcast_in_dim3A_373 = vector.shape_cast %reduce_min3A_372 : vector<64xi32> to vector<64x1xi32>
    %reshape3A_374 = vector.shape_cast %broadcast_in_dim3A_373 : vector<64x1xi32> to vector<1x64xi32>
    %swap3A_375 = arith.constant 0 : index
    %swap3A_376 = arith.constant 0 : index
    %swap3A_377 = arith.constant 14 : index
    %swap3A_378 = arith.constant 0 : index
    %swap3A_379 = vector.load %arg4[%swap3A_375, %swap3A_376, %swap3A_377, %swap3A_378] : memref<1x1x32x64xi32, #tpu.memory_space<vmem>>, vector<1x1x1x64xi32>
    %swap3A_380 = vector.shape_cast %swap3A_379 : vector<1x1x1x64xi32> to vector<1x64xi32>
    %swap3A_381 = vector.shape_cast %reshape3A_374 : vector<1x64xi32> to vector<1x1x1x64xi32>
    tpu.vector_store %arg4[%swap3A_375, %swap3A_376, %swap3A_377, %swap3A_378], %swap3A_381 {strides = array<i32>} : memref<1x1x32x64xi32, #tpu.memory_space<vmem>>, vector<1x1x1x64xi32>,
    %eq3A_382 = vector.broadcast %broadcast_in_dim3A_373 : vector<64x1xi32> to vector<64x8192xi32>
    %eq3A_383 = arith.cmpi eq, %iota3A, %eq3A_382 : vector<64x8192xi32>
    %and3A_384 = arith.andi %eq3A_367, %eq3A_383 : vector<64x8192xi1>
    %jit3A_385 = arith.constant 0x7F800000 : f32
    %broadcast_in_dim3A_386 = vector.broadcast %jit3A_385 : f32 to vector<64x8192xf32>
    %select_n3A_387 = arith.select %and3A_384, %broadcast_in_dim3A_386, %select_n3A_362 : vector<64x8192xi1>, vector<64x8192xf32>
    %reduce_min3A_388 = arith.constant dense<0x7F800000> : vector<64xf32>
    %reduce_min3A_389 = vector.multi_reduction <minimumf>, %select_n3A_387, %reduce_min3A_388 [1] : vector<64x8192xf32> to vector<64xf32>
    %broadcast_in_dim3A_390 = vector.shape_cast %reduce_min3A_389 : vector<64xf32> to vector<64x1xf32>
    %eq3A_391 = vector.broadcast %broadcast_in_dim3A_390 : vector<64x1xf32> to vector<64x8192xf32>
    %eq3A_392 = arith.cmpf oeq, %select_n3A_387, %eq3A_391 : vector<64x8192xf32>
    %jit3A_393 = arith.constant 1073741824 : i32
    %broadcast_in_dim3A_394 = vector.broadcast %jit3A_393 : i32 to vector<64x8192xi32>
    %select_n3A_395 = arith.select %eq3A_392, %iota3A, %broadcast_in_dim3A_394 : vector<64x8192xi1>, vector<64x8192xi32>
    %reduce_min3A_396 = arith.constant dense<2147483647> : vector<64xi32>
    %reduce_min3A_397 = vector.multi_reduction <minsi>, %select_n3A_395, %reduce_min3A_396 [1] : vector<64x8192xi32> to vector<64xi32>
    %broadcast_in_dim3A_398 = vector.shape_cast %reduce_min3A_397 : vector<64xi32> to vector<64x1xi32>
    %reshape3A_399 = vector.shape_cast %broadcast_in_dim3A_398 : vector<64x1xi32> to vector<1x64xi32>
    %swap3A_400 = arith.constant 0 : index
    %swap3A_401 = arith.constant 0 : index
    %swap3A_402 = arith.constant 15 : index
    %swap3A_403 = arith.constant 0 : index
    %swap3A_404 = vector.load %arg4[%swap3A_400, %swap3A_401, %swap3A_402, %swap3A_403] : memref<1x1x32x64xi32, #tpu.memory_space<vmem>>, vector<1x1x1x64xi32>
    %swap3A_405 = vector.shape_cast %swap3A_404 : vector<1x1x1x64xi32> to vector<1x64xi32>
    %swap3A_406 = vector.shape_cast %reshape3A_399 : vector<1x64xi32> to vector<1x1x1x64xi32>
    tpu.vector_store %arg4[%swap3A_400, %swap3A_401, %swap3A_402, %swap3A_403], %swap3A_406 {strides = array<i32>} : memref<1x1x32x64xi32, #tpu.memory_space<vmem>>, vector<1x1x1x64xi32>,
    %eq3A_407 = vector.broadcast %broadcast_in_dim3A_398 : vector<64x1xi32> to vector<64x8192xi32>
    %eq3A_408 = arith.cmpi eq, %iota3A, %eq3A_407 : vector<64x8192xi32>
    %and3A_409 = arith.andi %eq3A_392, %eq3A_408 : vector<64x8192xi1>
    %jit3A_410 = arith.constant 0x7F800000 : f32
    %broadcast_in_dim3A_411 = vector.broadcast %jit3A_410 : f32 to vector<64x8192xf32>
    %select_n3A_412 = arith.select %and3A_409, %broadcast_in_dim3A_411, %select_n3A_387 : vector<64x8192xi1>, vector<64x8192xf32>
    %reduce_min3A_413 = arith.constant dense<0x7F800000> : vector<64xf32>
    %reduce_min3A_414 = vector.multi_reduction <minimumf>, %select_n3A_412, %reduce_min3A_413 [1] : vector<64x8192xf32> to vector<64xf32>
    %broadcast_in_dim3A_415 = vector.shape_cast %reduce_min3A_414 : vector<64xf32> to vector<64x1xf32>
    %eq3A_416 = vector.broadcast %broadcast_in_dim3A_415 : vector<64x1xf32> to vector<64x8192xf32>
    %eq3A_417 = arith.cmpf oeq, %select_n3A_412, %eq3A_416 : vector<64x8192xf32>
    %jit3A_418 = arith.constant 1073741824 : i32
    %broadcast_in_dim3A_419 = vector.broadcast %jit3A_418 : i32 to vector<64x8192xi32>
    %select_n3A_420 = arith.select %eq3A_417, %iota3A, %broadcast_in_dim3A_419 : vector<64x8192xi1>, vector<64x8192xi32>
    %reduce_min3A_421 = arith.constant dense<2147483647> : vector<64xi32>
    %reduce_min3A_422 = vector.multi_reduction <minsi>, %select_n3A_420, %reduce_min3A_421 [1] : vector<64x8192xi32> to vector<64xi32>
    %broadcast_in_dim3A_423 = vector.shape_cast %reduce_min3A_422 : vector<64xi32> to vector<64x1xi32>
    %reshape3A_424 = vector.shape_cast %broadcast_in_dim3A_423 : vector<64x1xi32> to vector<1x64xi32>
    %swap3A_425 = arith.constant 0 : index
    %swap3A_426 = arith.constant 0 : index
    %swap3A_427 = arith.constant 16 : index
    %swap3A_428 = arith.constant 0 : index
    %swap3A_429 = vector.load %arg4[%swap3A_425, %swap3A_426, %swap3A_427, %swap3A_428] : memref<1x1x32x64xi32, #tpu.memory_space<vmem>>, vector<1x1x1x64xi32>
    %swap3A_430 = vector.shape_cast %swap3A_429 : vector<1x1x1x64xi32> to vector<1x64xi32>
    %swap3A_431 = vector.shape_cast %reshape3A_424 : vector<1x64xi32> to vector<1x1x1x64xi32>
    tpu.vector_store %arg4[%swap3A_425, %swap3A_426, %swap3A_427, %swap3A_428], %swap3A_431 {strides = array<i32>} : memref<1x1x32x64xi32, #tpu.memory_space<vmem>>, vector<1x1x1x64xi32>,
    %eq3A_432 = vector.broadcast %broadcast_in_dim3A_423 : vector<64x1xi32> to vector<64x8192xi32>
    %eq3A_433 = arith.cmpi eq, %iota3A, %eq3A_432 : vector<64x8192xi32>
    %and3A_434 = arith.andi %eq3A_417, %eq3A_433 : vector<64x8192xi1>
    %jit3A_435 = arith.constant 0x7F800000 : f32
    %broadcast_in_dim3A_436 = vector.broadcast %jit3A_435 : f32 to vector<64x8192xf32>
    %select_n3A_437 = arith.select %and3A_434, %broadcast_in_dim3A_436, %select_n3A_412 : vector<64x8192xi1>, vector<64x8192xf32>
    %reduce_min3A_438 = arith.constant dense<0x7F800000> : vector<64xf32>
    %reduce_min3A_439 = vector.multi_reduction <minimumf>, %select_n3A_437, %reduce_min3A_438 [1] : vector<64x8192xf32> to vector<64xf32>
    %broadcast_in_dim3A_440 = vector.shape_cast %reduce_min3A_439 : vector<64xf32> to vector<64x1xf32>
    %eq3A_441 = vector.broadcast %broadcast_in_dim3A_440 : vector<64x1xf32> to vector<64x8192xf32>
    %eq3A_442 = arith.cmpf oeq, %select_n3A_437, %eq3A_441 : vector<64x8192xf32>
    %jit3A_443 = arith.constant 1073741824 : i32
    %broadcast_in_dim3A_444 = vector.broadcast %jit3A_443 : i32 to vector<64x8192xi32>
    %select_n3A_445 = arith.select %eq3A_442, %iota3A, %broadcast_in_dim3A_444 : vector<64x8192xi1>, vector<64x8192xi32>
    %reduce_min3A_446 = arith.constant dense<2147483647> : vector<64xi32>
    %reduce_min3A_447 = vector.multi_reduction <minsi>, %select_n3A_445, %reduce_min3A_446 [1] : vector<64x8192xi32> to vector<64xi32>
    %broadcast_in_dim3A_448 = vector.shape_cast %reduce_min3A_447 : vector<64xi32> to vector<64x1xi32>
    %reshape3A_449 = vector.shape_cast %broadcast_in_dim3A_448 : vector<64x1xi32> to vector<1x64xi32>
    %swap3A_450 = arith.constant 0 : index
    %swap3A_451 = arith.constant 0 : index
    %swap3A_452 = arith.constant 17 : index
    %swap3A_453 = arith.constant 0 : index
    %swap3A_454 = vector.load %arg4[%swap3A_450, %swap3A_451, %swap3A_452, %swap3A_453] : memref<1x1x32x64xi32, #tpu.memory_space<vmem>>, vector<1x1x1x64xi32>
    %swap3A_455 = vector.shape_cast %swap3A_454 : vector<1x1x1x64xi32> to vector<1x64xi32>
    %swap3A_456 = vector.shape_cast %reshape3A_449 : vector<1x64xi32> to vector<1x1x1x64xi32>
    tpu.vector_store %arg4[%swap3A_450, %swap3A_451, %swap3A_452, %swap3A_453], %swap3A_456 {strides = array<i32>} : memref<1x1x32x64xi32, #tpu.memory_space<vmem>>, vector<1x1x1x64xi32>,
    %eq3A_457 = vector.broadcast %broadcast_in_dim3A_448 : vector<64x1xi32> to vector<64x8192xi32>
    %eq3A_458 = arith.cmpi eq, %iota3A, %eq3A_457 : vector<64x8192xi32>
    %and3A_459 = arith.andi %eq3A_442, %eq3A_458 : vector<64x8192xi1>
    %jit3A_460 = arith.constant 0x7F800000 : f32
    %broadcast_in_dim3A_461 = vector.broadcast %jit3A_460 : f32 to vector<64x8192xf32>
    %select_n3A_462 = arith.select %and3A_459, %broadcast_in_dim3A_461, %select_n3A_437 : vector<64x8192xi1>, vector<64x8192xf32>
    %reduce_min3A_463 = arith.constant dense<0x7F800000> : vector<64xf32>
    %reduce_min3A_464 = vector.multi_reduction <minimumf>, %select_n3A_462, %reduce_min3A_463 [1] : vector<64x8192xf32> to vector<64xf32>
    %broadcast_in_dim3A_465 = vector.shape_cast %reduce_min3A_464 : vector<64xf32> to vector<64x1xf32>
    %eq3A_466 = vector.broadcast %broadcast_in_dim3A_465 : vector<64x1xf32> to vector<64x8192xf32>
    %eq3A_467 = arith.cmpf oeq, %select_n3A_462, %eq3A_466 : vector<64x8192xf32>
    %jit3A_468 = arith.constant 1073741824 : i32
    %broadcast_in_dim3A_469 = vector.broadcast %jit3A_468 : i32 to vector<64x8192xi32>
    %select_n3A_470 = arith.select %eq3A_467, %iota3A, %broadcast_in_dim3A_469 : vector<64x8192xi1>, vector<64x8192xi32>
    %reduce_min3A_471 = arith.constant dense<2147483647> : vector<64xi32>
    %reduce_min3A_472 = vector.multi_reduction <minsi>, %select_n3A_470, %reduce_min3A_471 [1] : vector<64x8192xi32> to vector<64xi32>
    %broadcast_in_dim3A_473 = vector.shape_cast %reduce_min3A_472 : vector<64xi32> to vector<64x1xi32>
    %reshape3A_474 = vector.shape_cast %broadcast_in_dim3A_473 : vector<64x1xi32> to vector<1x64xi32>
    %swap3A_475 = arith.constant 0 : index
    %swap3A_476 = arith.constant 0 : index
    %swap3A_477 = arith.constant 18 : index
    %swap3A_478 = arith.constant 0 : index
    %swap3A_479 = vector.load %arg4[%swap3A_475, %swap3A_476, %swap3A_477, %swap3A_478] : memref<1x1x32x64xi32, #tpu.memory_space<vmem>>, vector<1x1x1x64xi32>
    %swap3A_480 = vector.shape_cast %swap3A_479 : vector<1x1x1x64xi32> to vector<1x64xi32>
    %swap3A_481 = vector.shape_cast %reshape3A_474 : vector<1x64xi32> to vector<1x1x1x64xi32>
    tpu.vector_store %arg4[%swap3A_475, %swap3A_476, %swap3A_477, %swap3A_478], %swap3A_481 {strides = array<i32>} : memref<1x1x32x64xi32, #tpu.memory_space<vmem>>, vector<1x1x1x64xi32>,
    %eq3A_482 = vector.broadcast %broadcast_in_dim3A_473 : vector<64x1xi32> to vector<64x8192xi32>
    %eq3A_483 = arith.cmpi eq, %iota3A, %eq3A_482 : vector<64x8192xi32>
    %and3A_484 = arith.andi %eq3A_467, %eq3A_483 : vector<64x8192xi1>
    %jit3A_485 = arith.constant 0x7F800000 : f32
    %broadcast_in_dim3A_486 = vector.broadcast %jit3A_485 : f32 to vector<64x8192xf32>
    %select_n3A_487 = arith.select %and3A_484, %broadcast_in_dim3A_486, %select_n3A_462 : vector<64x8192xi1>, vector<64x8192xf32>
    %reduce_min3A_488 = arith.constant dense<0x7F800000> : vector<64xf32>
    %reduce_min3A_489 = vector.multi_reduction <minimumf>, %select_n3A_487, %reduce_min3A_488 [1] : vector<64x8192xf32> to vector<64xf32>
    %broadcast_in_dim3A_490 = vector.shape_cast %reduce_min3A_489 : vector<64xf32> to vector<64x1xf32>
    %eq3A_491 = vector.broadcast %broadcast_in_dim3A_490 : vector<64x1xf32> to vector<64x8192xf32>
    %eq3A_492 = arith.cmpf oeq, %select_n3A_487, %eq3A_491 : vector<64x8192xf32>
    %jit3A_493 = arith.constant 1073741824 : i32
    %broadcast_in_dim3A_494 = vector.broadcast %jit3A_493 : i32 to vector<64x8192xi32>
    %select_n3A_495 = arith.select %eq3A_492, %iota3A, %broadcast_in_dim3A_494 : vector<64x8192xi1>, vector<64x8192xi32>
    %reduce_min3A_496 = arith.constant dense<2147483647> : vector<64xi32>
    %reduce_min3A_497 = vector.multi_reduction <minsi>, %select_n3A_495, %reduce_min3A_496 [1] : vector<64x8192xi32> to vector<64xi32>
    %broadcast_in_dim3A_498 = vector.shape_cast %reduce_min3A_497 : vector<64xi32> to vector<64x1xi32>
    %reshape3A_499 = vector.shape_cast %broadcast_in_dim3A_498 : vector<64x1xi32> to vector<1x64xi32>
    %swap3A_500 = arith.constant 0 : index
    %swap3A_501 = arith.constant 0 : index
    %swap3A_502 = arith.constant 19 : index
    %swap3A_503 = arith.constant 0 : index
    %swap3A_504 = vector.load %arg4[%swap3A_500, %swap3A_501, %swap3A_502, %swap3A_503] : memref<1x1x32x64xi32, #tpu.memory_space<vmem>>, vector<1x1x1x64xi32>
    %swap3A_505 = vector.shape_cast %swap3A_504 : vector<1x1x1x64xi32> to vector<1x64xi32>
    %swap3A_506 = vector.shape_cast %reshape3A_499 : vector<1x64xi32> to vector<1x1x1x64xi32>
    tpu.vector_store %arg4[%swap3A_500, %swap3A_501, %swap3A_502, %swap3A_503], %swap3A_506 {strides = array<i32>} : memref<1x1x32x64xi32, #tpu.memory_space<vmem>>, vector<1x1x1x64xi32>,
    %eq3A_507 = vector.broadcast %broadcast_in_dim3A_498 : vector<64x1xi32> to vector<64x8192xi32>
    %eq3A_508 = arith.cmpi eq, %iota3A, %eq3A_507 : vector<64x8192xi32>
    %and3A_509 = arith.andi %eq3A_492, %eq3A_508 : vector<64x8192xi1>
    %jit3A_510 = arith.constant 0x7F800000 : f32
    %broadcast_in_dim3A_511 = vector.broadcast %jit3A_510 : f32 to vector<64x8192xf32>
    %select_n3A_512 = arith.select %and3A_509, %broadcast_in_dim3A_511, %select_n3A_487 : vector<64x8192xi1>, vector<64x8192xf32>
    %reduce_min3A_513 = arith.constant dense<0x7F800000> : vector<64xf32>
    %reduce_min3A_514 = vector.multi_reduction <minimumf>, %select_n3A_512, %reduce_min3A_513 [1] : vector<64x8192xf32> to vector<64xf32>
    %broadcast_in_dim3A_515 = vector.shape_cast %reduce_min3A_514 : vector<64xf32> to vector<64x1xf32>
    %eq3A_516 = vector.broadcast %broadcast_in_dim3A_515 : vector<64x1xf32> to vector<64x8192xf32>
    %eq3A_517 = arith.cmpf oeq, %select_n3A_512, %eq3A_516 : vector<64x8192xf32>
    %jit3A_518 = arith.constant 1073741824 : i32
    %broadcast_in_dim3A_519 = vector.broadcast %jit3A_518 : i32 to vector<64x8192xi32>
    %select_n3A_520 = arith.select %eq3A_517, %iota3A, %broadcast_in_dim3A_519 : vector<64x8192xi1>, vector<64x8192xi32>
    %reduce_min3A_521 = arith.constant dense<2147483647> : vector<64xi32>
    %reduce_min3A_522 = vector.multi_reduction <minsi>, %select_n3A_520, %reduce_min3A_521 [1] : vector<64x8192xi32> to vector<64xi32>
    %broadcast_in_dim3A_523 = vector.shape_cast %reduce_min3A_522 : vector<64xi32> to vector<64x1xi32>
    %reshape3A_524 = vector.shape_cast %broadcast_in_dim3A_523 : vector<64x1xi32> to vector<1x64xi32>
    %swap3A_525 = arith.constant 0 : index
    %swap3A_526 = arith.constant 0 : index
    %swap3A_527 = arith.constant 20 : index
    %swap3A_528 = arith.constant 0 : index
    %swap3A_529 = vector.load %arg4[%swap3A_525, %swap3A_526, %swap3A_527, %swap3A_528] : memref<1x1x32x64xi32, #tpu.memory_space<vmem>>, vector<1x1x1x64xi32>
    %swap3A_530 = vector.shape_cast %swap3A_529 : vector<1x1x1x64xi32> to vector<1x64xi32>
    %swap3A_531 = vector.shape_cast %reshape3A_524 : vector<1x64xi32> to vector<1x1x1x64xi32>
    tpu.vector_store %arg4[%swap3A_525, %swap3A_526, %swap3A_527, %swap3A_528], %swap3A_531 {strides = array<i32>} : memref<1x1x32x64xi32, #tpu.memory_space<vmem>>, vector<1x1x1x64xi32>,
    %eq3A_532 = vector.broadcast %broadcast_in_dim3A_523 : vector<64x1xi32> to vector<64x8192xi32>
    %eq3A_533 = arith.cmpi eq, %iota3A, %eq3A_532 : vector<64x8192xi32>
    %and3A_534 = arith.andi %eq3A_517, %eq3A_533 : vector<64x8192xi1>
    %jit3A_535 = arith.constant 0x7F800000 : f32
    %broadcast_in_dim3A_536 = vector.broadcast %jit3A_535 : f32 to vector<64x8192xf32>
    %select_n3A_537 = arith.select %and3A_534, %broadcast_in_dim3A_536, %select_n3A_512 : vector<64x8192xi1>, vector<64x8192xf32>
    %reduce_min3A_538 = arith.constant dense<0x7F800000> : vector<64xf32>
    %reduce_min3A_539 = vector.multi_reduction <minimumf>, %select_n3A_537, %reduce_min3A_538 [1] : vector<64x8192xf32> to vector<64xf32>
    %broadcast_in_dim3A_540 = vector.shape_cast %reduce_min3A_539 : vector<64xf32> to vector<64x1xf32>
    %eq3A_541 = vector.broadcast %broadcast_in_dim3A_540 : vector<64x1xf32> to vector<64x8192xf32>
    %eq3A_542 = arith.cmpf oeq, %select_n3A_537, %eq3A_541 : vector<64x8192xf32>
    %jit3A_543 = arith.constant 1073741824 : i32
    %broadcast_in_dim3A_544 = vector.broadcast %jit3A_543 : i32 to vector<64x8192xi32>
    %select_n3A_545 = arith.select %eq3A_542, %iota3A, %broadcast_in_dim3A_544 : vector<64x8192xi1>, vector<64x8192xi32>
    %reduce_min3A_546 = arith.constant dense<2147483647> : vector<64xi32>
    %reduce_min3A_547 = vector.multi_reduction <minsi>, %select_n3A_545, %reduce_min3A_546 [1] : vector<64x8192xi32> to vector<64xi32>
    %broadcast_in_dim3A_548 = vector.shape_cast %reduce_min3A_547 : vector<64xi32> to vector<64x1xi32>
    %reshape3A_549 = vector.shape_cast %broadcast_in_dim3A_548 : vector<64x1xi32> to vector<1x64xi32>
    %swap3A_550 = arith.constant 0 : index
    %swap3A_551 = arith.constant 0 : index
    %swap3A_552 = arith.constant 21 : index
    %swap3A_553 = arith.constant 0 : index
    %swap3A_554 = vector.load %arg4[%swap3A_550, %swap3A_551, %swap3A_552, %swap3A_553] : memref<1x1x32x64xi32, #tpu.memory_space<vmem>>, vector<1x1x1x64xi32>
    %swap3A_555 = vector.shape_cast %swap3A_554 : vector<1x1x1x64xi32> to vector<1x64xi32>
    %swap3A_556 = vector.shape_cast %reshape3A_549 : vector<1x64xi32> to vector<1x1x1x64xi32>
    tpu.vector_store %arg4[%swap3A_550, %swap3A_551, %swap3A_552, %swap3A_553], %swap3A_556 {strides = array<i32>} : memref<1x1x32x64xi32, #tpu.memory_space<vmem>>, vector<1x1x1x64xi32>,
    %eq3A_557 = vector.broadcast %broadcast_in_dim3A_548 : vector<64x1xi32> to vector<64x8192xi32>
    %eq3A_558 = arith.cmpi eq, %iota3A, %eq3A_557 : vector<64x8192xi32>
    %and3A_559 = arith.andi %eq3A_542, %eq3A_558 : vector<64x8192xi1>
    %jit3A_560 = arith.constant 0x7F800000 : f32
    %broadcast_in_dim3A_561 = vector.broadcast %jit3A_560 : f32 to vector<64x8192xf32>
    %select_n3A_562 = arith.select %and3A_559, %broadcast_in_dim3A_561, %select_n3A_537 : vector<64x8192xi1>, vector<64x8192xf32>
    %reduce_min3A_563 = arith.constant dense<0x7F800000> : vector<64xf32>
    %reduce_min3A_564 = vector.multi_reduction <minimumf>, %select_n3A_562, %reduce_min3A_563 [1] : vector<64x8192xf32> to vector<64xf32>
    %broadcast_in_dim3A_565 = vector.shape_cast %reduce_min3A_564 : vector<64xf32> to vector<64x1xf32>
    %eq3A_566 = vector.broadcast %broadcast_in_dim3A_565 : vector<64x1xf32> to vector<64x8192xf32>
    %eq3A_567 = arith.cmpf oeq, %select_n3A_562, %eq3A_566 : vector<64x8192xf32>
    %jit3A_568 = arith.constant 1073741824 : i32
    %broadcast_in_dim3A_569 = vector.broadcast %jit3A_568 : i32 to vector<64x8192xi32>
    %select_n3A_570 = arith.select %eq3A_567, %iota3A, %broadcast_in_dim3A_569 : vector<64x8192xi1>, vector<64x8192xi32>
    %reduce_min3A_571 = arith.constant dense<2147483647> : vector<64xi32>
    %reduce_min3A_572 = vector.multi_reduction <minsi>, %select_n3A_570, %reduce_min3A_571 [1] : vector<64x8192xi32> to vector<64xi32>
    %broadcast_in_dim3A_573 = vector.shape_cast %reduce_min3A_572 : vector<64xi32> to vector<64x1xi32>
    %reshape3A_574 = vector.shape_cast %broadcast_in_dim3A_573 : vector<64x1xi32> to vector<1x64xi32>
    %swap3A_575 = arith.constant 0 : index
    %swap3A_576 = arith.constant 0 : index
    %swap3A_577 = arith.constant 22 : index
    %swap3A_578 = arith.constant 0 : index
    %swap3A_579 = vector.load %arg4[%swap3A_575, %swap3A_576, %swap3A_577, %swap3A_578] : memref<1x1x32x64xi32, #tpu.memory_space<vmem>>, vector<1x1x1x64xi32>
    %swap3A_580 = vector.shape_cast %swap3A_579 : vector<1x1x1x64xi32> to vector<1x64xi32>
    %swap3A_581 = vector.shape_cast %reshape3A_574 : vector<1x64xi32> to vector<1x1x1x64xi32>
    tpu.vector_store %arg4[%swap3A_575, %swap3A_576, %swap3A_577, %swap3A_578], %swap3A_581 {strides = array<i32>} : memref<1x1x32x64xi32, #tpu.memory_space<vmem>>, vector<1x1x1x64xi32>,
    %eq3A_582 = vector.broadcast %broadcast_in_dim3A_573 : vector<64x1xi32> to vector<64x8192xi32>
    %eq3A_583 = arith.cmpi eq, %iota3A, %eq3A_582 : vector<64x8192xi32>
    %and3A_584 = arith.andi %eq3A_567, %eq3A_583 : vector<64x8192xi1>
    %jit3A_585 = arith.constant 0x7F800000 : f32
    %broadcast_in_dim3A_586 = vector.broadcast %jit3A_585 : f32 to vector<64x8192xf32>
    %select_n3A_587 = arith.select %and3A_584, %broadcast_in_dim3A_586, %select_n3A_562 : vector<64x8192xi1>, vector<64x8192xf32>
    %reduce_min3A_588 = arith.constant dense<0x7F800000> : vector<64xf32>
    %reduce_min3A_589 = vector.multi_reduction <minimumf>, %select_n3A_587, %reduce_min3A_588 [1] : vector<64x8192xf32> to vector<64xf32>
    %broadcast_in_dim3A_590 = vector.shape_cast %reduce_min3A_589 : vector<64xf32> to vector<64x1xf32>
    %eq3A_591 = vector.broadcast %broadcast_in_dim3A_590 : vector<64x1xf32> to vector<64x8192xf32>
    %eq3A_592 = arith.cmpf oeq, %select_n3A_587, %eq3A_591 : vector<64x8192xf32>
    %jit3A_593 = arith.constant 1073741824 : i32
    %broadcast_in_dim3A_594 = vector.broadcast %jit3A_593 : i32 to vector<64x8192xi32>
    %select_n3A_595 = arith.select %eq3A_592, %iota3A, %broadcast_in_dim3A_594 : vector<64x8192xi1>, vector<64x8192xi32>
    %reduce_min3A_596 = arith.constant dense<2147483647> : vector<64xi32>
    %reduce_min3A_597 = vector.multi_reduction <minsi>, %select_n3A_595, %reduce_min3A_596 [1] : vector<64x8192xi32> to vector<64xi32>
    %broadcast_in_dim3A_598 = vector.shape_cast %reduce_min3A_597 : vector<64xi32> to vector<64x1xi32>
    %reshape3A_599 = vector.shape_cast %broadcast_in_dim3A_598 : vector<64x1xi32> to vector<1x64xi32>
    %swap3A_600 = arith.constant 0 : index
    %swap3A_601 = arith.constant 0 : index
    %swap3A_602 = arith.constant 23 : index
    %swap3A_603 = arith.constant 0 : index
    %swap3A_604 = vector.load %arg4[%swap3A_600, %swap3A_601, %swap3A_602, %swap3A_603] : memref<1x1x32x64xi32, #tpu.memory_space<vmem>>, vector<1x1x1x64xi32>
    %swap3A_605 = vector.shape_cast %swap3A_604 : vector<1x1x1x64xi32> to vector<1x64xi32>
    %swap3A_606 = vector.shape_cast %reshape3A_599 : vector<1x64xi32> to vector<1x1x1x64xi32>
    tpu.vector_store %arg4[%swap3A_600, %swap3A_601, %swap3A_602, %swap3A_603], %swap3A_606 {strides = array<i32>} : memref<1x1x32x64xi32, #tpu.memory_space<vmem>>, vector<1x1x1x64xi32>,
    %eq3A_607 = vector.broadcast %broadcast_in_dim3A_598 : vector<64x1xi32> to vector<64x8192xi32>
    %eq3A_608 = arith.cmpi eq, %iota3A, %eq3A_607 : vector<64x8192xi32>
    %and3A_609 = arith.andi %eq3A_592, %eq3A_608 : vector<64x8192xi1>
    %jit3A_610 = arith.constant 0x7F800000 : f32
    %broadcast_in_dim3A_611 = vector.broadcast %jit3A_610 : f32 to vector<64x8192xf32>
    %select_n3A_612 = arith.select %and3A_609, %broadcast_in_dim3A_611, %select_n3A_587 : vector<64x8192xi1>, vector<64x8192xf32>
    %reduce_min3A_613 = arith.constant dense<0x7F800000> : vector<64xf32>
    %reduce_min3A_614 = vector.multi_reduction <minimumf>, %select_n3A_612, %reduce_min3A_613 [1] : vector<64x8192xf32> to vector<64xf32>
    %broadcast_in_dim3A_615 = vector.shape_cast %reduce_min3A_614 : vector<64xf32> to vector<64x1xf32>
    %eq3A_616 = vector.broadcast %broadcast_in_dim3A_615 : vector<64x1xf32> to vector<64x8192xf32>
    %eq3A_617 = arith.cmpf oeq, %select_n3A_612, %eq3A_616 : vector<64x8192xf32>
    %jit3A_618 = arith.constant 1073741824 : i32
    %broadcast_in_dim3A_619 = vector.broadcast %jit3A_618 : i32 to vector<64x8192xi32>
    %select_n3A_620 = arith.select %eq3A_617, %iota3A, %broadcast_in_dim3A_619 : vector<64x8192xi1>, vector<64x8192xi32>
    %reduce_min3A_621 = arith.constant dense<2147483647> : vector<64xi32>
    %reduce_min3A_622 = vector.multi_reduction <minsi>, %select_n3A_620, %reduce_min3A_621 [1] : vector<64x8192xi32> to vector<64xi32>
    %broadcast_in_dim3A_623 = vector.shape_cast %reduce_min3A_622 : vector<64xi32> to vector<64x1xi32>
    %reshape3A_624 = vector.shape_cast %broadcast_in_dim3A_623 : vector<64x1xi32> to vector<1x64xi32>
    %swap3A_625 = arith.constant 0 : index
    %swap3A_626 = arith.constant 0 : index
    %swap3A_627 = arith.constant 24 : index
    %swap3A_628 = arith.constant 0 : index
    %swap3A_629 = vector.load %arg4[%swap3A_625, %swap3A_626, %swap3A_627, %swap3A_628] : memref<1x1x32x64xi32, #tpu.memory_space<vmem>>, vector<1x1x1x64xi32>
    %swap3A_630 = vector.shape_cast %swap3A_629 : vector<1x1x1x64xi32> to vector<1x64xi32>
    %swap3A_631 = vector.shape_cast %reshape3A_624 : vector<1x64xi32> to vector<1x1x1x64xi32>
    tpu.vector_store %arg4[%swap3A_625, %swap3A_626, %swap3A_627, %swap3A_628], %swap3A_631 {strides = array<i32>} : memref<1x1x32x64xi32, #tpu.memory_space<vmem>>, vector<1x1x1x64xi32>,
    %eq3A_632 = vector.broadcast %broadcast_in_dim3A_623 : vector<64x1xi32> to vector<64x8192xi32>
    %eq3A_633 = arith.cmpi eq, %iota3A, %eq3A_632 : vector<64x8192xi32>
    %and3A_634 = arith.andi %eq3A_617, %eq3A_633 : vector<64x8192xi1>
    %jit3A_635 = arith.constant 0x7F800000 : f32
    %broadcast_in_dim3A_636 = vector.broadcast %jit3A_635 : f32 to vector<64x8192xf32>
    %select_n3A_637 = arith.select %and3A_634, %broadcast_in_dim3A_636, %select_n3A_612 : vector<64x8192xi1>, vector<64x8192xf32>
    %reduce_min3A_638 = arith.constant dense<0x7F800000> : vector<64xf32>
    %reduce_min3A_639 = vector.multi_reduction <minimumf>, %select_n3A_637, %reduce_min3A_638 [1] : vector<64x8192xf32> to vector<64xf32>
    %broadcast_in_dim3A_640 = vector.shape_cast %reduce_min3A_639 : vector<64xf32> to vector<64x1xf32>
    %eq3A_641 = vector.broadcast %broadcast_in_dim3A_640 : vector<64x1xf32> to vector<64x8192xf32>
    %eq3A_642 = arith.cmpf oeq, %select_n3A_637, %eq3A_641 : vector<64x8192xf32>
    %jit3A_643 = arith.constant 1073741824 : i32
    %broadcast_in_dim3A_644 = vector.broadcast %jit3A_643 : i32 to vector<64x8192xi32>
    %select_n3A_645 = arith.select %eq3A_642, %iota3A, %broadcast_in_dim3A_644 : vector<64x8192xi1>, vector<64x8192xi32>
    %reduce_min3A_646 = arith.constant dense<2147483647> : vector<64xi32>
    %reduce_min3A_647 = vector.multi_reduction <minsi>, %select_n3A_645, %reduce_min3A_646 [1] : vector<64x8192xi32> to vector<64xi32>
    %broadcast_in_dim3A_648 = vector.shape_cast %reduce_min3A_647 : vector<64xi32> to vector<64x1xi32>
    %reshape3A_649 = vector.shape_cast %broadcast_in_dim3A_648 : vector<64x1xi32> to vector<1x64xi32>
    %swap3A_650 = arith.constant 0 : index
    %swap3A_651 = arith.constant 0 : index
    %swap3A_652 = arith.constant 25 : index
    %swap3A_653 = arith.constant 0 : index
    %swap3A_654 = vector.load %arg4[%swap3A_650, %swap3A_651, %swap3A_652, %swap3A_653] : memref<1x1x32x64xi32, #tpu.memory_space<vmem>>, vector<1x1x1x64xi32>
    %swap3A_655 = vector.shape_cast %swap3A_654 : vector<1x1x1x64xi32> to vector<1x64xi32>
    %swap3A_656 = vector.shape_cast %reshape3A_649 : vector<1x64xi32> to vector<1x1x1x64xi32>
    tpu.vector_store %arg4[%swap3A_650, %swap3A_651, %swap3A_652, %swap3A_653], %swap3A_656 {strides = array<i32>} : memref<1x1x32x64xi32, #tpu.memory_space<vmem>>, vector<1x1x1x64xi32>,
    %eq3A_657 = vector.broadcast %broadcast_in_dim3A_648 : vector<64x1xi32> to vector<64x8192xi32>
    %eq3A_658 = arith.cmpi eq, %iota3A, %eq3A_657 : vector<64x8192xi32>
    %and3A_659 = arith.andi %eq3A_642, %eq3A_658 : vector<64x8192xi1>
    %jit3A_660 = arith.constant 0x7F800000 : f32
    %broadcast_in_dim3A_661 = vector.broadcast %jit3A_660 : f32 to vector<64x8192xf32>
    %select_n3A_662 = arith.select %and3A_659, %broadcast_in_dim3A_661, %select_n3A_637 : vector<64x8192xi1>, vector<64x8192xf32>
    %reduce_min3A_663 = arith.constant dense<0x7F800000> : vector<64xf32>
    %reduce_min3A_664 = vector.multi_reduction <minimumf>, %select_n3A_662, %reduce_min3A_663 [1] : vector<64x8192xf32> to vector<64xf32>
    %broadcast_in_dim3A_665 = vector.shape_cast %reduce_min3A_664 : vector<64xf32> to vector<64x1xf32>
    %eq3A_666 = vector.broadcast %broadcast_in_dim3A_665 : vector<64x1xf32> to vector<64x8192xf32>
    %eq3A_667 = arith.cmpf oeq, %select_n3A_662, %eq3A_666 : vector<64x8192xf32>
    %jit3A_668 = arith.constant 1073741824 : i32
    %broadcast_in_dim3A_669 = vector.broadcast %jit3A_668 : i32 to vector<64x8192xi32>
    %select_n3A_670 = arith.select %eq3A_667, %iota3A, %broadcast_in_dim3A_669 : vector<64x8192xi1>, vector<64x8192xi32>
    %reduce_min3A_671 = arith.constant dense<2147483647> : vector<64xi32>
    %reduce_min3A_672 = vector.multi_reduction <minsi>, %select_n3A_670, %reduce_min3A_671 [1] : vector<64x8192xi32> to vector<64xi32>
    %broadcast_in_dim3A_673 = vector.shape_cast %reduce_min3A_672 : vector<64xi32> to vector<64x1xi32>
    %reshape3A_674 = vector.shape_cast %broadcast_in_dim3A_673 : vector<64x1xi32> to vector<1x64xi32>
    %swap3A_675 = arith.constant 0 : index
    %swap3A_676 = arith.constant 0 : index
    %swap3A_677 = arith.constant 26 : index
    %swap3A_678 = arith.constant 0 : index
    %swap3A_679 = vector.load %arg4[%swap3A_675, %swap3A_676, %swap3A_677, %swap3A_678] : memref<1x1x32x64xi32, #tpu.memory_space<vmem>>, vector<1x1x1x64xi32>
    %swap3A_680 = vector.shape_cast %swap3A_679 : vector<1x1x1x64xi32> to vector<1x64xi32>
    %swap3A_681 = vector.shape_cast %reshape3A_674 : vector<1x64xi32> to vector<1x1x1x64xi32>
    tpu.vector_store %arg4[%swap3A_675, %swap3A_676, %swap3A_677, %swap3A_678], %swap3A_681 {strides = array<i32>} : memref<1x1x32x64xi32, #tpu.memory_space<vmem>>, vector<1x1x1x64xi32>,
    %eq3A_682 = vector.broadcast %broadcast_in_dim3A_673 : vector<64x1xi32> to vector<64x8192xi32>
    %eq3A_683 = arith.cmpi eq, %iota3A, %eq3A_682 : vector<64x8192xi32>
    %and3A_684 = arith.andi %eq3A_667, %eq3A_683 : vector<64x8192xi1>
    %jit3A_685 = arith.constant 0x7F800000 : f32
    %broadcast_in_dim3A_686 = vector.broadcast %jit3A_685 : f32 to vector<64x8192xf32>
    %select_n3A_687 = arith.select %and3A_684, %broadcast_in_dim3A_686, %select_n3A_662 : vector<64x8192xi1>, vector<64x8192xf32>
    %reduce_min3A_688 = arith.constant dense<0x7F800000> : vector<64xf32>
    %reduce_min3A_689 = vector.multi_reduction <minimumf>, %select_n3A_687, %reduce_min3A_688 [1] : vector<64x8192xf32> to vector<64xf32>
    %broadcast_in_dim3A_690 = vector.shape_cast %reduce_min3A_689 : vector<64xf32> to vector<64x1xf32>
    %eq3A_691 = vector.broadcast %broadcast_in_dim3A_690 : vector<64x1xf32> to vector<64x8192xf32>
    %eq3A_692 = arith.cmpf oeq, %select_n3A_687, %eq3A_691 : vector<64x8192xf32>
    %jit3A_693 = arith.constant 1073741824 : i32
    %broadcast_in_dim3A_694 = vector.broadcast %jit3A_693 : i32 to vector<64x8192xi32>
    %select_n3A_695 = arith.select %eq3A_692, %iota3A, %broadcast_in_dim3A_694 : vector<64x8192xi1>, vector<64x8192xi32>
    %reduce_min3A_696 = arith.constant dense<2147483647> : vector<64xi32>
    %reduce_min3A_697 = vector.multi_reduction <minsi>, %select_n3A_695, %reduce_min3A_696 [1] : vector<64x8192xi32> to vector<64xi32>
    %broadcast_in_dim3A_698 = vector.shape_cast %reduce_min3A_697 : vector<64xi32> to vector<64x1xi32>
    %reshape3A_699 = vector.shape_cast %broadcast_in_dim3A_698 : vector<64x1xi32> to vector<1x64xi32>
    %swap3A_700 = arith.constant 0 : index
    %swap3A_701 = arith.constant 0 : index
    %swap3A_702 = arith.constant 27 : index
    %swap3A_703 = arith.constant 0 : index
    %swap3A_704 = vector.load %arg4[%swap3A_700, %swap3A_701, %swap3A_702, %swap3A_703] : memref<1x1x32x64xi32, #tpu.memory_space<vmem>>, vector<1x1x1x64xi32>
    %swap3A_705 = vector.shape_cast %swap3A_704 : vector<1x1x1x64xi32> to vector<1x64xi32>
    %swap3A_706 = vector.shape_cast %reshape3A_699 : vector<1x64xi32> to vector<1x1x1x64xi32>
    tpu.vector_store %arg4[%swap3A_700, %swap3A_701, %swap3A_702, %swap3A_703], %swap3A_706 {strides = array<i32>} : memref<1x1x32x64xi32, #tpu.memory_space<vmem>>, vector<1x1x1x64xi32>,
    %eq3A_707 = vector.broadcast %broadcast_in_dim3A_698 : vector<64x1xi32> to vector<64x8192xi32>
    %eq3A_708 = arith.cmpi eq, %iota3A, %eq3A_707 : vector<64x8192xi32>
    %and3A_709 = arith.andi %eq3A_692, %eq3A_708 : vector<64x8192xi1>
    %jit3A_710 = arith.constant 0x7F800000 : f32
    %broadcast_in_dim3A_711 = vector.broadcast %jit3A_710 : f32 to vector<64x8192xf32>
    %select_n3A_712 = arith.select %and3A_709, %broadcast_in_dim3A_711, %select_n3A_687 : vector<64x8192xi1>, vector<64x8192xf32>
    %reduce_min3A_713 = arith.constant dense<0x7F800000> : vector<64xf32>
    %reduce_min3A_714 = vector.multi_reduction <minimumf>, %select_n3A_712, %reduce_min3A_713 [1] : vector<64x8192xf32> to vector<64xf32>
    %broadcast_in_dim3A_715 = vector.shape_cast %reduce_min3A_714 : vector<64xf32> to vector<64x1xf32>
    %eq3A_716 = vector.broadcast %broadcast_in_dim3A_715 : vector<64x1xf32> to vector<64x8192xf32>
    %eq3A_717 = arith.cmpf oeq, %select_n3A_712, %eq3A_716 : vector<64x8192xf32>
    %jit3A_718 = arith.constant 1073741824 : i32
    %broadcast_in_dim3A_719 = vector.broadcast %jit3A_718 : i32 to vector<64x8192xi32>
    %select_n3A_720 = arith.select %eq3A_717, %iota3A, %broadcast_in_dim3A_719 : vector<64x8192xi1>, vector<64x8192xi32>
    %reduce_min3A_721 = arith.constant dense<2147483647> : vector<64xi32>
    %reduce_min3A_722 = vector.multi_reduction <minsi>, %select_n3A_720, %reduce_min3A_721 [1] : vector<64x8192xi32> to vector<64xi32>
    %broadcast_in_dim3A_723 = vector.shape_cast %reduce_min3A_722 : vector<64xi32> to vector<64x1xi32>
    %reshape3A_724 = vector.shape_cast %broadcast_in_dim3A_723 : vector<64x1xi32> to vector<1x64xi32>
    %swap3A_725 = arith.constant 0 : index
    %swap3A_726 = arith.constant 0 : index
    %swap3A_727 = arith.constant 28 : index
    %swap3A_728 = arith.constant 0 : index
    %swap3A_729 = vector.load %arg4[%swap3A_725, %swap3A_726, %swap3A_727, %swap3A_728] : memref<1x1x32x64xi32, #tpu.memory_space<vmem>>, vector<1x1x1x64xi32>
    %swap3A_730 = vector.shape_cast %swap3A_729 : vector<1x1x1x64xi32> to vector<1x64xi32>
    %swap3A_731 = vector.shape_cast %reshape3A_724 : vector<1x64xi32> to vector<1x1x1x64xi32>
    tpu.vector_store %arg4[%swap3A_725, %swap3A_726, %swap3A_727, %swap3A_728], %swap3A_731 {strides = array<i32>} : memref<1x1x32x64xi32, #tpu.memory_space<vmem>>, vector<1x1x1x64xi32>,
    %eq3A_732 = vector.broadcast %broadcast_in_dim3A_723 : vector<64x1xi32> to vector<64x8192xi32>
    %eq3A_733 = arith.cmpi eq, %iota3A, %eq3A_732 : vector<64x8192xi32>
    %and3A_734 = arith.andi %eq3A_717, %eq3A_733 : vector<64x8192xi1>
    %jit3A_735 = arith.constant 0x7F800000 : f32
    %broadcast_in_dim3A_736 = vector.broadcast %jit3A_735 : f32 to vector<64x8192xf32>
    %select_n3A_737 = arith.select %and3A_734, %broadcast_in_dim3A_736, %select_n3A_712 : vector<64x8192xi1>, vector<64x8192xf32>
    %reduce_min3A_738 = arith.constant dense<0x7F800000> : vector<64xf32>
    %reduce_min3A_739 = vector.multi_reduction <minimumf>, %select_n3A_737, %reduce_min3A_738 [1] : vector<64x8192xf32> to vector<64xf32>
    %broadcast_in_dim3A_740 = vector.shape_cast %reduce_min3A_739 : vector<64xf32> to vector<64x1xf32>
    %eq3A_741 = vector.broadcast %broadcast_in_dim3A_740 : vector<64x1xf32> to vector<64x8192xf32>
    %eq3A_742 = arith.cmpf oeq, %select_n3A_737, %eq3A_741 : vector<64x8192xf32>
    %jit3A_743 = arith.constant 1073741824 : i32
    %broadcast_in_dim3A_744 = vector.broadcast %jit3A_743 : i32 to vector<64x8192xi32>
    %select_n3A_745 = arith.select %eq3A_742, %iota3A, %broadcast_in_dim3A_744 : vector<64x8192xi1>, vector<64x8192xi32>
    %reduce_min3A_746 = arith.constant dense<2147483647> : vector<64xi32>
    %reduce_min3A_747 = vector.multi_reduction <minsi>, %select_n3A_745, %reduce_min3A_746 [1] : vector<64x8192xi32> to vector<64xi32>
    %broadcast_in_dim3A_748 = vector.shape_cast %reduce_min3A_747 : vector<64xi32> to vector<64x1xi32>
    %reshape3A_749 = vector.shape_cast %broadcast_in_dim3A_748 : vector<64x1xi32> to vector<1x64xi32>
    %swap3A_750 = arith.constant 0 : index
    %swap3A_751 = arith.constant 0 : index
    %swap3A_752 = arith.constant 29 : index
    %swap3A_753 = arith.constant 0 : index
    %swap3A_754 = vector.load %arg4[%swap3A_750, %swap3A_751, %swap3A_752, %swap3A_753] : memref<1x1x32x64xi32, #tpu.memory_space<vmem>>, vector<1x1x1x64xi32>
    %swap3A_755 = vector.shape_cast %swap3A_754 : vector<1x1x1x64xi32> to vector<1x64xi32>
    %swap3A_756 = vector.shape_cast %reshape3A_749 : vector<1x64xi32> to vector<1x1x1x64xi32>
    tpu.vector_store %arg4[%swap3A_750, %swap3A_751, %swap3A_752, %swap3A_753], %swap3A_756 {strides = array<i32>} : memref<1x1x32x64xi32, #tpu.memory_space<vmem>>, vector<1x1x1x64xi32>,
    %eq3A_757 = vector.broadcast %broadcast_in_dim3A_748 : vector<64x1xi32> to vector<64x8192xi32>
    %eq3A_758 = arith.cmpi eq, %iota3A, %eq3A_757 : vector<64x8192xi32>
    %and3A_759 = arith.andi %eq3A_742, %eq3A_758 : vector<64x8192xi1>
    %jit3A_760 = arith.constant 0x7F800000 : f32
    %broadcast_in_dim3A_761 = vector.broadcast %jit3A_760 : f32 to vector<64x8192xf32>
    %select_n3A_762 = arith.select %and3A_759, %broadcast_in_dim3A_761, %select_n3A_737 : vector<64x8192xi1>, vector<64x8192xf32>
    %reduce_min3A_763 = arith.constant dense<0x7F800000> : vector<64xf32>
    %reduce_min3A_764 = vector.multi_reduction <minimumf>, %select_n3A_762, %reduce_min3A_763 [1] : vector<64x8192xf32> to vector<64xf32>
    %broadcast_in_dim3A_765 = vector.shape_cast %reduce_min3A_764 : vector<64xf32> to vector<64x1xf32>
    %eq3A_766 = vector.broadcast %broadcast_in_dim3A_765 : vector<64x1xf32> to vector<64x8192xf32>
    %eq3A_767 = arith.cmpf oeq, %select_n3A_762, %eq3A_766 : vector<64x8192xf32>
    %jit3A_768 = arith.constant 1073741824 : i32
    %broadcast_in_dim3A_769 = vector.broadcast %jit3A_768 : i32 to vector<64x8192xi32>
    %select_n3A_770 = arith.select %eq3A_767, %iota3A, %broadcast_in_dim3A_769 : vector<64x8192xi1>, vector<64x8192xi32>
    %reduce_min3A_771 = arith.constant dense<2147483647> : vector<64xi32>
    %reduce_min3A_772 = vector.multi_reduction <minsi>, %select_n3A_770, %reduce_min3A_771 [1] : vector<64x8192xi32> to vector<64xi32>
    %broadcast_in_dim3A_773 = vector.shape_cast %reduce_min3A_772 : vector<64xi32> to vector<64x1xi32>
    %reshape3A_774 = vector.shape_cast %broadcast_in_dim3A_773 : vector<64x1xi32> to vector<1x64xi32>
    %swap3A_775 = arith.constant 0 : index
    %swap3A_776 = arith.constant 0 : index
    %swap3A_777 = arith.constant 30 : index
    %swap3A_778 = arith.constant 0 : index
    %swap3A_779 = vector.load %arg4[%swap3A_775, %swap3A_776, %swap3A_777, %swap3A_778] : memref<1x1x32x64xi32, #tpu.memory_space<vmem>>, vector<1x1x1x64xi32>
    %swap3A_780 = vector.shape_cast %swap3A_779 : vector<1x1x1x64xi32> to vector<1x64xi32>
    %swap3A_781 = vector.shape_cast %reshape3A_774 : vector<1x64xi32> to vector<1x1x1x64xi32>
    tpu.vector_store %arg4[%swap3A_775, %swap3A_776, %swap3A_777, %swap3A_778], %swap3A_781 {strides = array<i32>} : memref<1x1x32x64xi32, #tpu.memory_space<vmem>>, vector<1x1x1x64xi32>,
    %eq3A_782 = vector.broadcast %broadcast_in_dim3A_773 : vector<64x1xi32> to vector<64x8192xi32>
    %eq3A_783 = arith.cmpi eq, %iota3A, %eq3A_782 : vector<64x8192xi32>
    %and3A_784 = arith.andi %eq3A_767, %eq3A_783 : vector<64x8192xi1>
    %jit3A_785 = arith.constant 0x7F800000 : f32
    %broadcast_in_dim3A_786 = vector.broadcast %jit3A_785 : f32 to vector<64x8192xf32>
    %select_n3A_787 = arith.select %and3A_784, %broadcast_in_dim3A_786, %select_n3A_762 : vector<64x8192xi1>, vector<64x8192xf32>
    %reduce_min3A_788 = arith.constant dense<0x7F800000> : vector<64xf32>
    %reduce_min3A_789 = vector.multi_reduction <minimumf>, %select_n3A_787, %reduce_min3A_788 [1] : vector<64x8192xf32> to vector<64xf32>
    %broadcast_in_dim3A_790 = vector.shape_cast %reduce_min3A_789 : vector<64xf32> to vector<64x1xf32>
    %eq3A_791 = vector.broadcast %broadcast_in_dim3A_790 : vector<64x1xf32> to vector<64x8192xf32>
    %eq3A_792 = arith.cmpf oeq, %select_n3A_787, %eq3A_791 : vector<64x8192xf32>
    %jit3A_793 = arith.constant 1073741824 : i32
    %broadcast_in_dim3A_794 = vector.broadcast %jit3A_793 : i32 to vector<64x8192xi32>
    %select_n3A_795 = arith.select %eq3A_792, %iota3A, %broadcast_in_dim3A_794 : vector<64x8192xi1>, vector<64x8192xi32>
    %reduce_min3A_796 = arith.constant dense<2147483647> : vector<64xi32>
    %reduce_min3A_797 = vector.multi_reduction <minsi>, %select_n3A_795, %reduce_min3A_796 [1] : vector<64x8192xi32> to vector<64xi32>
    %broadcast_in_dim3A_798 = vector.shape_cast %reduce_min3A_797 : vector<64xi32> to vector<64x1xi32>
    %reshape3A_799 = vector.shape_cast %broadcast_in_dim3A_798 : vector<64x1xi32> to vector<1x64xi32>
    %swap3A_800 = arith.constant 0 : index
    %swap3A_801 = arith.constant 0 : index
    %swap3A_802 = arith.constant 31 : index
    %swap3A_803 = arith.constant 0 : index
    %swap3A_804 = vector.load %arg4[%swap3A_800, %swap3A_801, %swap3A_802, %swap3A_803] : memref<1x1x32x64xi32, #tpu.memory_space<vmem>>, vector<1x1x1x64xi32>
    %swap3A_805 = vector.shape_cast %swap3A_804 : vector<1x1x1x64xi32> to vector<1x64xi32>
    %swap3A_806 = vector.shape_cast %reshape3A_799 : vector<1x64xi32> to vector<1x1x1x64xi32>
    tpu.vector_store %arg4[%swap3A_800, %swap3A_801, %swap3A_802, %swap3A_803], %swap3A_806 {strides = array<i32>} : memref<1x1x32x64xi32, #tpu.memory_space<vmem>>, vector<1x1x1x64xi32>,
    return
  }
  func.func @transform_0(%arg0: i32, %arg1: i32) -> (i32, i32, i32) {
    %c0_i32 = arith.constant 0 : i32
    %c0_i32_0 = arith.constant 0 : i32
    return %arg0, %arg1, %c0_i32 : i32, i32, i32
  }
  func.func @transform_1(%arg0: i32, %arg1: i32) -> (i32, i32, i32) {
    %c0_i32 = arith.constant 0 : i32
    %c0_i32_0 = arith.constant 0 : i32
    %c0_i32_1 = arith.constant 0 : i32
    return %arg0, %c0_i32, %c0_i32_0 : i32, i32, i32
  }
  func.func @transform_2(%arg0: i32, %arg1: i32) -> (i32, i32, i32, i32) {
    %c0_i32 = arith.constant 0 : i32
    %c0_i32_0 = arith.constant 0 : i32
    %c0_i32_1 = arith.constant 0 : i32
    return %arg0, %arg1, %c0_i32, %c0_i32_0 : i32, i32, i32, i32
  }
}

module attributes {stable_mosaic.version = 14 : i64} {
  func.func @_sub_body(%arg0: i32, %arg1: memref<256x32x16xf32, #tpu.memory_space<vmem>>, %arg2: memref<256x16xf32, #tpu.memory_space<vmem>>, %arg3: memref<256x32x16xf32, #tpu.memory_space<vmem>>) attributes {dimension_semantics = [#tpu.dimension_semantics<arbitrary>], iteration_bounds = array<i64: 32>, scalar_prefetch = 0 : i64, scratch_operands = 0 : i64, tpu.core_type = #tpu.core_type<tc>, window_params = [{transform_indices = @transform_0, window_bounds = array<i64: 256, 32, 16>}, {transform_indices = @transform_1, window_bounds = array<i64: 256, 16>}, {transform_indices = @transform_2, window_bounds = array<i64: 256, 32, 16>}]} {
    %get3A = arith.constant 0 : index
    %get3A_0 = arith.constant 0 : index
    %get3A_1 = arith.constant 0 : index
    %get3A_2 = vector.load %arg1[%get3A, %get3A_0, %get3A_1] : memref<256x32x16xf32, #tpu.memory_space<vmem>>, vector<256x32x16xf32>
    %get3A_3 = arith.constant 0 : index
    %get3A_4 = arith.constant 0 : index
    %get3A_5 = vector.load %arg2[%get3A_3, %get3A_4] : memref<256x16xf32, #tpu.memory_space<vmem>>, vector<256x16xf32>
    %broadcast_in_dim3A = vector.shape_cast %get3A_5 : vector<256x16xf32> to vector<256x1x16xf32>
    %sub3A = vector.broadcast %broadcast_in_dim3A : vector<256x1x16xf32> to vector<256x32x16xf32>
    %sub3A_6 = arith.subf %get3A_2, %sub3A : vector<256x32x16xf32>
    %swap3A = arith.constant 0 : index
    %swap3A_7 = arith.constant 0 : index
    %swap3A_8 = arith.constant 0 : index
    %swap3A_9 = vector.load %arg3[%swap3A, %swap3A_7, %swap3A_8] : memref<256x32x16xf32, #tpu.memory_space<vmem>>, vector<256x32x16xf32>
    tpu.vector_store %arg3[%swap3A, %swap3A_7, %swap3A_8], %sub3A_6 {strides = array<i32>} : memref<256x32x16xf32, #tpu.memory_space<vmem>>, vector<256x32x16xf32>,
    return
  }
  func.func @transform_0(%arg0: i32) -> (i32, i32, i32) {
    %c0_i32 = arith.constant 0 : i32
    %c0_i32_0 = arith.constant 0 : i32
    %c0_i32_1 = arith.constant 0 : i32
    return %arg0, %c0_i32, %c0_i32_0 : i32, i32, i32
  }
  func.func @transform_1(%arg0: i32) -> (i32, i32) {
    %c0_i32 = arith.constant 0 : i32
    %c0_i32_0 = arith.constant 0 : i32
    return %arg0, %c0_i32 : i32, i32
  }
  func.func @transform_2(%arg0: i32) -> (i32, i32, i32) {
    %c0_i32 = arith.constant 0 : i32
    %c0_i32_0 = arith.constant 0 : i32
    %c0_i32_1 = arith.constant 0 : i32
    return %arg0, %c0_i32, %c0_i32_0 : i32, i32, i32
  }
}

</mosaic_0001>

<sc_bundles>
// kernel: kernel.6.cloned.1.call-start
scs
__scs_entry_jumppad:
0x0: {  	(pc) =	sbr.rel $0x88, $3  }
0x1: {  	(tag) =	ssettag $0x0;
	lr =	simm.s32 $0x1  }
0x2: {  	[smem:$0x3FA0] =	sst lr;
	_ =	strace $0xD0000000  }
0x3: {  	_ = 	snop  }
0x4: {  	_ = 	snop  }
0x5: {  	_ = 	snop  }
0x6: {  	_ = 	snop  }
0x7: {  	_ = 	snop  }
__scs_overlays_trampoline_lowered:
0x8: {  	[smem:$0x3FAF] =	sst s0  }
0x9: {  	[smem:$0x3FB0] =	sst s1  }
0xa: {  	[smem:$0x3FB1] =	sst s2  }
0xb: {  	[smem:$0x3FB2] =	sst s3  }
0xc: {  	[smem:$0x3FB3] =	sst s4  }
0xd: {  	[smem:$0x3FB4] =	sst s5  }
0xe: {  	[smem:$0x3FB5] =	sst s6  }
0xf: {  	[smem:$0x3FB6] =	sst s7  }
0x10: {  	[smem:$0x3FB7] =	sst s8  }
0x11: {  	[smem:$0x3FB8] =	sst s9;
	s0 =	simm.s32 @!p0 $0x0  }
0x12: {  	s1 =	sld [smem:$0x3F9E];
	s0 =	simm.s32 @p0 $0x1  }
0x13: {  	[smem:$0x3FB9] =	sst s0;
	s0 =	simm.s32 @!p1 $0x0  }
0x14: {  	s2 =	sld [smem:$0x3F9D];
	s0 =	simm.s32 @p1 $0x1  }
0x15: {  	[smem:$0x3FBA] =	sst s0;
	s0 =	simm.s32 @!p2 $0x0  }
0x16: {  	s3 =	sld [smem:$0x3FDB];
	s0 =	simm.s32 @p2 $0x1  }
0x17: {  	s4 =	simm.s32 $0x1BF5;
	[smem:$0x3FBC] =	sst s0  }
0x18: {  	s0 =	sld [smem:$0x3F9F];
	_ =	swait.ge [sflag:s4], $0x0  }
0x19: {  	s7 =	sld [smem:$0x3FA0]  }
0x1a: {  	s8 =	sadd.s32 $0xFFFFE003, lr  }
0x1b: {  	s9 =	sadd.s32 $0xFFFFFEF7, lr;
	s5 =	simm.s32 $0xFFFFFFFF;
	p2 =	slt.u32 s8, $0xFFFFF086  }
0x1c: {  	p1 =	slt.u32 s9, $0xF7A;
	s5 =	simm.s32 @!p2 $0x0  }
0x1d: {  	s5 =	simm.s32 @p1 $0x1;
	p0 =	seq.s32 s7, s2  }
0x1e: {  	s7 =	smul.u32 @!p0 $0xF7A, s2;
	p2 =	seq.s32 @!p0 s5, $0x0  }
0x1f: {  	s9 =	smul.u32 $0xF7A, s1;
	s8 =	simm.s32 @!p0 $0x1BF5;
	p2 =	por !p2, p0  }
0x20: {  	[sflag:s8] =	ssyncset.s32 @!p0 $0xFFFFF086;
	s6 =	sadd.s32 @!p0 s3, s7;
	s7 =	simm.s32 @!p0 $0x108  }
0x21: {  	s3 =	sadd.s32 s3, s9;
	s6 =	sadd.s32 @!p0 $0x88, s6;
	s7 =	simm.s32 @p2 $0x1082  }
0x22: {  	[simem:s7], [sflag:s8] =	dma.local @!p0 [hbm:s6], $0xF7A  }
0x23: {  	s9 =	sor.u32 $0xD0000000, s2;
	s6 =	simm.s32 $0x108;
	_ =	swait.ge @!p0 [sflag:s8], $0x0  }
0x24: {  	s3 =	sadd.s32 $0x88, s3;
	s6 =	simm.s32 @!p1 $0x1082;
	[sflag:s4] =	ssyncset.s32 $0xFFFFF086  }
0x25: {  	[simem:s6], [sflag:s4] =	dma.local [hbm:s3], $0xF7A  }
0x26: {  	[smem:$0x3FA0] =	sst s1;
	(tag) =	ssettag s2;
	_ =	strace s9  }
0x27: {  	s1 =	sld [smem:$0x3FB0]  }
0x28: {  	s2 =	sld [smem:$0x3FB1]  }
0x29: {  	s4 =	sld [smem:$0x3FB3]  }
0x2a: {  	p0 =	seq.s32 s5, $0x0;
	s5 =	sld [smem:$0x3FB4]  }
0x2b: {  	s6 =	sld [smem:$0x3FB5]  }
0x2c: {  	s7 =	sld [smem:$0x3FB6]  }
0x2d: {  	s3 =	simm.s32 $0x108;
	s8 =	sld [smem:$0x3FB7]  }
0x2e: {  	s3 =	simm.s32 @!p0 $0x1082;
	s9 =	sld [smem:$0x3FB8]  }
0x2f: {  	lr =	sadd.s32 s0, s3;
	s0 =	sld [smem:$0x3FAF]  }
0x30: {  	s3 =	sld [smem:$0x3FB2]  }
0x31: {  	[smem:$0x3FBB] =	sst s10  }
0x32: {  	s10 =	sld [smem:$0x3FB9];
	_ =	sdelay $0x3  }
0x33: {  	p0 =	seq.s32 s10, $0x1;
	s10 =	sld [smem:$0x3FBB];
	_ =	sdelay $0x3  }
0x34: {  	[smem:$0x3FBB] =	sst s10  }
0x35: {  	s10 =	sld [smem:$0x3FBA];
	_ =	sdelay $0x3  }
0x36: {  	p1 =	seq.s32 s10, $0x1;
	s10 =	sld [smem:$0x3FBB];
	_ =	sdelay $0x3  }
0x37: {  	[smem:$0x3FBB] =	sst s10  }
0x38: {  	s10 =	sld [smem:$0x3FBC]  }
0x39: {  	_ = 	snop;
	(pc) =	sbr.ind lr, $3  }
0x3a: {  	_ = 	snop  }
0x3b: {  	_ = 	snop  }
0x3c: {  	p2 =	seq.s32 s10, $0x1;
	s10 =	sld [smem:$0x3FBB]  }
0x3d: {  	_ =	shalt  }
0x3e: {  	_ =	shalt  }
0x3f: {  	_ =	shalt  }
0x40: {  	_ =	shalt  }
0x41: {  	_ =	shalt  }
0x42: {  	_ =	shalt  }
0x43: {  	_ =	shalt  }
0x44: {  	_ =	shalt  }
0x45: {  	_ =	shalt  }
0x46: {  	_ =	shalt  }
0x47: {  	_ =	shalt  }
0x48: {  	_ =	shalt  }
0x49: {  	_ =	shalt  }
0x4a: {  	_ =	shalt  }
0x4b: {  	_ =	shalt  }
0x4c: {  	_ =	shalt  }
0x4d: {  	_ =	shalt  }
0x4e: {  	_ =	shalt  }
0x4f: {  	_ =	shalt  }
0x50: {  	_ =	shalt  }
0x51: {  	_ =	shalt  }
0x52: {  	_ =	shalt  }
0x53: {  	_ =	shalt  }
0x54: {  	_ =	shalt  }
0x55: {  	_ =	shalt  }
0x56: {  	_ =	shalt  }
0x57: {  	_ =	shalt  }
0x58: {  	_ =	shalt  }
0x59: {  	_ =	shalt  }
0x5a: {  	_ =	shalt  }
0x5b: {  	_ =	shalt  }
0x5c: {  	_ =	shalt  }
0x5d: {  	_ =	shalt  }
0x5e: {  	_ =	shalt  }
0x5f: {  	_ =	shalt  }
0x60: {  	_ =	shalt  }
0x61: {  	_ =	shalt  }
0x62: {  	_ =	shalt  }
0x63: {  	_ =	shalt  }
0x64: {  	_ =	shalt  }
0x65: {  	_ =	shalt  }
0x66: {  	_ =	shalt  }
0x67: {  	_ =	shalt  }
0x68: {  	_ =	shalt  }
0x69: {  	_ =	shalt  }
0x6a: {  	_ =	shalt  }
0x6b: {  	_ =	shalt  }
0x6c: {  	_ =	shalt  }
0x6d: {  	_ =	shalt  }
0x6e: {  	_ =	shalt  }
0x6f: {  	_ =	shalt  }
0x70: {  	_ =	shalt  }
0x71: {  	_ =	shalt  }
0x72: {  	_ =	shalt  }
0x73: {  	_ =	shalt  }
0x74: {  	_ =	shalt  }
0x75: {  	_ =	shalt  }
0x76: {  	_ =	shalt  }
0x77: {  	_ =	shalt  }
0x78: {  	_ =	shalt  }
0x79: {  	_ =	shalt  }
0x7a: {  	_ =	shalt  }
0x7b: {  	_ =	shalt  }
0x7c: {  	_ =	shalt  }
0x7d: {  	_ =	shalt  }
0x7e: {  	_ =	shalt  }
0x7f: {  	_ =	shalt  }
0x80: {  	_ =	shalt  }
0x81: {  	_ =	shalt  }
0x82: {  	_ =	shalt  }
0x83: {  	_ =	shalt  }
0x84: {  	_ =	shalt  }
0x85: {  	_ =	shalt  }
0x86: {  	_ =	shalt  }
0x87: {  	_ =	shalt  }
.Lfunc_end0:
.L_simem_size_0:
called_computation_lowered:
.L_overlay_start_0:
0x88: {  	s2 =	sld [smem:$0x3FD9]  }
0x89: {  	s3 =	sld [smem:$0x3FFE];
	_ =	sdelay $0x1  }
0x8a: {  	s1 =	srdreg.scid  }
0x8b: {  	s0 =	sand.u32 $0x1, s1  }
0x8c: {  	s14 =	sshll.u32 s0, $0xA;
	s2 =	sadd.s32 s3, s2  }
0x8d: {  	s2 =	sadd.s32 s2, s14  }
0x8e: {  	[smem:$0x3FC7] =	sst s2  }
0x8f: {  	_ = 	snop  }
0x90: {  	s2 =	sld [smem:$0x3FD0];
	_ =	sdelay $0x2  }
0x91: {  	s15 =	simm.s32 $0xA;
	s4 =	simm.s32 $0x10  }
0x92: {  	[smem:s4], [sflag:s15] =	dma.local [hbm:s2], $0x1  }
0x93: {  	_ =	swait.eq [sflag:s15], $0x1  }
0x94: {  	[sflag:s15] =	ssyncset.done $0x0  }
0x95: {  	[sflag:s15] =	ssyncadd.s32 $0xFFFFFFFF  }
0x96: {  	s16 =	sld [smem:$0x10];
	(tm) =	ssettm $0x1  }
0x97: {  	s17 =	sld [smem:$0x3FFB];
	_ =	sdelay $0x3  }
0x98: {  	_ =	strace s17  }
0x99: {  	s3 =	sld [smem:$0x3FFC];
	_ =	sdelay $0x3  }
0x9a: {  	_ =	strace s3  }
0x9b: {  	s3 =	sld [smem:$0x3FFD];
	_ =	sdelay $0x3  }
0x9c: {  	_ =	strace s3  }
0x9d: {  	_ =	strace $0x8FFFFFFF  }
0x9e: {  	s18 =	sld [smem:$0x3FDB];
	_ =	sdelay $0x1  }
0x9f: {  	s19 =	simm.s32 $_scs_section_size  }
0xa0: {  	s5 =	simm.s32 $_size__tile_overlayer_lowered;
	s6 =	simm.s32 $_tile_overlayer_lowered  }
0xa1: {  	s22 =	simm.s32 $0x1BFF;
	s21 =	sshll.u32 s6, $0x1;
	s3 =	sadd.s32 s19, s18  }
0xa2: {  	s7 =	simm.s32 $0x0;
	s20 =	sshll.u32 s5, $0x1;
	s5 =	sadd.s32 s21, s3  }
0xa3: {  	[timem:s7], [sflag:s22] =	dma.local [hbm:s5], s20  }
0xa4: {  	_ =	swait.ge [sflag:s22], s20  }
0xa5: {  	s4 =	ssub.s32 $0x0, s20;
	[sflag:s22] =	ssyncset.done $0x0  }
0xa6: {  	[sflag:s22] =	ssyncadd.s32 s4;
	_ =	sdelay $0x1  }
0xa7: {  	s23 =	simm.s32 $0x1B8B  }
0xa8: {  	_ =	swait.ge [sflag:s23], $0x1  }
0xa9: {  	[sflag:s23] =	ssyncset.done $0x0  }
0xaa: {  	s25 =	simm.s32 $0x1B8E;
	s24 =	sld [smem:$0x3FFE];
	[sflag:s23] =	ssyncadd.s32 $0xFFFFFFFF  }
0xab: {  	s26 =	simm.s32 $execute0_lowered;
	[smem:$0x3FD2] =	sst s25  }
0xac: {  	s5 =	sshll.u32 s26, $0x1;
	_ =	strace $0x80000046;
	[dreg:$0x1] =	wrdreg $0xFFFFFFFF  }
0xad: {  	s28 =	simm.s32 $_size_execute0_lowered;
	s3 =	sadd.s32 s3, s5;
	[dreg:$0x0] =	wrdreg $0x0  }
0xae: {  	s5 =	sshll.u32 s28, $0x1;
	[dreg:$0x2] =	wrdreg s3  }
0xaf: {  	[dreg:$0x3] =	wrdreg s5  }
0xb0: {  	[dreg:$0x4] =	wrdreg $0xC0  }
0xb1: {  	_ =	task [dreg:s7], $0x5FFFF  }
0xb2: {  	[dreg:$0x1] =	wrdreg $0xFFFFFFFF  }
0xb3: {  	[dreg:$0x0] =	wrdreg $0x60  }
0xb4: {  	[dreg:$0x2] =	wrdreg s24  }
0xb5: {  	[dreg:$0x3] =	wrdreg s16  }
0xb6: {  	[dreg:$0x4] =	wrdreg $0x9  }
0xb7: {  	_ =	task.clear_ibuf [dreg:s7], $0x5FFFF;
	_ =	strace $0x90000046  }
0xb8: {  	s29 =	simm.s32 $0x9;
	_ =	strace $0x80000048  }
0xb9: {  	_ =	swait.ge [sflag:s29], $0x1  }
0xba: {  	[sflag:s29] =	ssyncadd.s32 $0xFFFFFFFF  }
0xbb: {  	_ =	strace $0x90000048  }
0xbc: {  	_ =	sfence  }
0xbd: {  	s30 =	sld [smem:$0x0];
	_ =	sdelay $0x2  }
0xbe: {  	s31 =	sshll.u32 s1, $0xD;
	s1 =	sshrl.u32 s1, $0x2  }
0xbf: {  	s3 =	sand.u32 $0x4000, s31;
	s1 =	sadd.s32 s1, s30  }
0xc0: {  	s0 =	sor.u32 s3, s0;
	s1 =	sshll.u32 s1, $0x11  }
0xc1: {  	s0 =	sor.u32 s1, s0  }
0xc2: {  	s0 =	sadd.s32 $0x8F2B, s0  }
0xc3: {  	[sflag:s0] =	ssyncadd.remote.s32 $0x1  }
0xc4: {  	_ =	sfence.sel $0xFFFF  }
0xc5: {  	[dreg:$0x0] =	wrdreg $0xFFFFFFFF;
	(pc) =	sbr.abs _section_cstart, $3  }
0xc6: {  	[dreg:$0x1] =	wrdreg $0xFFFFFFFF  }
0xc7: {  	_ =	task.clear_ibuf [dreg:s7], $0x2FFFF;
	_ =	strace $0x9FFFFFFF  }
0xc8: {  	(tm) =	ssettm $0x7FFFFFFF  }
0xc9: {  	_ =	shalt  }
tec
execute0_lowered:
.L_overlay_start_1:
0x0: {  	(tag) =	ssettag $0x1  }
0x1: {  	s1 =	srdreg.scid  }
0x2: {  	s8 =	rddreg [dreg:$0x0];
	s0 =	stileid.u32;
	s14 =	sand.u32 $0x1, s1  }
0x3: {  	s13 =	rddreg [dreg:$0x1];
	s3 =	sshll.u32 s0, $0xE;
	s4 =	sshll.u32 s14, $0xD  }
0x4: {  	s2 =	simm.s32 $0x0;
	s1 =	rddreg [dreg:$0x2];
	s15 =	sor.u32 s4, s3  }
0x5: {  	[smem:$0x7FF] =	sst s2;
	s3 =	sshrl.u32 s15, $0x3  }
0x6: {  	_ =	strace $0x80000047;
	s4 =	sadd.s32 s13, s3;
	s3 =	simm.s32 $0x2  }
0x7: {  	[tilespmem:s2], [sflag:$0x2] =	stream.linear.gather [hbm4b:s4+s2], $0x800, $0x38;
	[tilespmem:$0x8800] =	vst v63  }
0x8: {  	_ =	swait.ge [sflag:s3], $0x800  }
0x9: {  	s6 =	simm.s32 $0x800;
	[sflag:s3] =	ssyncset.done $0x0  }
0xa: {  	s7 =	simm.s32 $0x1;
	s5 =	sadd.s32 $0x1400, s8;
	[sflag:s3] =	ssyncadd.s32 $0xFFFFF800  }
0xb: {  	[tilespmem:s6], [sflag:$0x1] =	stream.indirect.gather [hbm4b:s5+s6], $0x10, s2, s6, $0xb8;
	[tilespmem:$0x8800] =	vst v63  }
0xc: {  	_ =	swait.ge [sflag:s7], $0x8000  }
0xd: {  	s16 =	sadd.s32 $0x81400, s8;
	s28 =	sshll.u32 s15, $0x1;
	[sflag:s7] =	ssyncset.done $0x0  }
0xe: {  	s8 =	sadd.s32 s16, s28;
	[sflag:s7] =	ssyncadd.s32 $0xFFFF8000  }
0xf: {  	[hbm4b:s8+s2] =	stream.linear.scatter [tilespmem:s6], [sflag:$0x2], $0x8000, $0x38;
	[tilespmem:$0x8800] =	vst v63  }
0x10: {  	s10 =	sor.u32 $0x800, s15;
	_ =	swait.ge [sflag:s3], $0x8000  }
0x11: {  	s9 =	sshrl.u32 s10, $0x3;
	[sflag:s3] =	ssyncset.done $0x0  }
0x12: {  	s9 =	sadd.s32 s13, s9;
	[sflag:s3] =	ssyncadd.s32 $0xFFFF8000  }
0x13: {  	[tilespmem:s2], [sflag:$0x2] =	stream.linear.gather [hbm4b:s9+s2], $0x800, $0x38;
	[tilespmem:$0x8800] =	vst v63  }
0x14: {  	_ =	swait.ge [sflag:s3], $0x800  }
0x15: {  	[sflag:s3] =	ssyncset.done $0x0  }
0x16: {  	[sflag:s3] =	ssyncadd.s32 $0xFFFFF800  }
0x17: {  	[tilespmem:s6], [sflag:$0x1] =	stream.indirect.gather [hbm4b:s5+s6], $0x10, s2, s6, $0xb8;
	[tilespmem:$0x8800] =	vst v63  }
0x18: {  	_ =	swait.ge [sflag:s7], $0x8000  }
0x19: {  	s10 =	sshll.u32 s10, $0x1;
	[sflag:s7] =	ssyncset.done $0x0  }
0x1a: {  	s10 =	sadd.s32 s16, s10;
	[sflag:s7] =	ssyncadd.s32 $0xFFFF8000  }
0x1b: {  	[hbm4b:s10+s2] =	stream.linear.scatter [tilespmem:s6], [sflag:$0x2], $0x8000, $0x38;
	[tilespmem:$0x8800] =	vst v63  }
0x1c: {  	s12 =	sor.u32 $0x1000, s15;
	_ =	swait.ge [sflag:s3], $0x8000  }
0x1d: {  	s11 =	sshrl.u32 s12, $0x3;
	[sflag:s3] =	ssyncset.done $0x0  }
0x1e: {  	s11 =	sadd.s32 s13, s11;
	[sflag:s3] =	ssyncadd.s32 $0xFFFF8000  }
0x1f: {  	[tilespmem:s2], [sflag:$0x2] =	stream.linear.gather [hbm4b:s11+s2], $0x800, $0x38;
	[tilespmem:$0x8800] =	vst v63  }
0x20: {  	_ =	swait.ge [sflag:s3], $0x800  }
0x21: {  	[sflag:s3] =	ssyncset.done $0x0  }
0x22: {  	[sflag:s3] =	ssyncadd.s32 $0xFFFFF800  }
0x23: {  	[tilespmem:s6], [sflag:$0x1] =	stream.indirect.gather [hbm4b:s5+s6], $0x10, s2, s6, $0xb8;
	[tilespmem:$0x8800] =	vst v63  }
0x24: {  	_ =	swait.ge [sflag:s7], $0x8000  }
0x25: {  	s12 =	sshll.u32 s12, $0x1;
	[sflag:s7] =	ssyncset.done $0x0  }
0x26: {  	s12 =	sadd.s32 s16, s12;
	[sflag:s7] =	ssyncadd.s32 $0xFFFF8000  }
0x27: {  	[hbm4b:s12+s2] =	stream.linear.scatter [tilespmem:s6], [sflag:$0x2], $0x8000, $0x38;
	[tilespmem:$0x8800] =	vst v63  }
0x28: {  	s15 =	sor.u32 $0x1800, s15;
	_ =	swait.ge [sflag:s3], $0x8000  }
0x29: {  	s17 =	sshrl.u32 s15, $0x3;
	[sflag:s3] =	ssyncset.done $0x0  }
0x2a: {  	s14 =	ssub.s32 $0x2, s14;
	s13 =	sadd.s32 s13, s17;
	[sflag:s3] =	ssyncadd.s32 $0xFFFF8000  }
0x2b: {  	[tilespmem:s2], [sflag:$0x2] =	stream.linear.gather [hbm4b:s13+s2], $0x800, $0x38;
	[tilespmem:$0x8800] =	vst v63  }
0x2c: {  	s29 =	sshrl.u32 s14, $0x1;
	_ =	swait.ge [sflag:s3], $0x800  }
0x2d: {  	s17 =	ssub.s32 s14, s29;
	[sflag:s3] =	ssyncset.done $0x0  }
0x2e: {  	s31 =	smax.u32 s17, $0x1;
	[sflag:s3] =	ssyncadd.s32 $0xFFFFF800  }
0x2f: {  	[tilespmem:s6], [sflag:$0x1] =	stream.indirect.gather [hbm4b:s5+s6], $0x10, s2, s6, $0xb8;
	[tilespmem:$0x8800] =	vst v63  }
0x30: {  	p0 =	sne.s32 s31, $0x1;
	_ =	swait.ge [sflag:s7], $0x8000  }
.Ltmp0:
0x31: {  	s30 =	sshll.u32 s15, $0x1;
	[sflag:s7] =	ssyncset.done $0x0;
	(pc) =	sbr.rel @!p0 .LBB2_2-.Ltmp0, $4  }
0x32: {  	s14 =	sadd.s32 s16, s30;
	[sflag:s7] =	ssyncadd.s32 $0xFFFF8000  }
0x33: {  	[hbm4b:s14+s2] =	stream.linear.scatter [tilespmem:s6], [sflag:$0x2], $0x8000, $0x38;
	[tilespmem:$0x8800] =	vst v63  }
0x34: {  	_ =	swait.ge [sflag:s3], $0x8000  }
0x35: {  	s15 =	sadd.s32 $0xFFFFFFFF, s31;
	[sflag:s3] =	ssyncset.done $0x0  }
.LBB2_1:
0x36: {  	p0 =	sne.s32 s15, $0x1;
	s15 =	sadd.s32 $0xFFFFFFFF, s15;
	[sflag:s3] =	ssyncadd.s32 $0xFFFF8000  }
0x37: {  	[tilespmem:s2], [sflag:$0x2] =	stream.linear.gather [hbm4b:s4+s2], $0x800, $0x38;
	[tilespmem:$0x8800] =	vst v63  }
0x38: {  	_ =	swait.ge [sflag:s3], $0x800  }
0x39: {  	[sflag:s3] =	ssyncset.done $0x0  }
0x3a: {  	[sflag:s3] =	ssyncadd.s32 $0xFFFFF800  }
0x3b: {  	[tilespmem:s6], [sflag:$0x1] =	stream.indirect.gather [hbm4b:s5+s6], $0x10, s2, s6, $0xb8;
	[tilespmem:$0x8800] =	vst v63  }
0x3c: {  	_ =	swait.ge [sflag:s7], $0x8000  }
0x3d: {  	[sflag:s7] =	ssyncset.done $0x0  }
0x3e: {  	[sflag:s7] =	ssyncadd.s32 $0xFFFF8000  }
0x3f: {  	[hbm4b:s8+s2] =	stream.linear.scatter [tilespmem:s6], [sflag:$0x2], $0x8000, $0x38;
	[tilespmem:$0x8800] =	vst v63  }
0x40: {  	_ =	swait.ge [sflag:s3], $0x8000  }
0x41: {  	[sflag:s3] =	ssyncset.done $0x0  }
0x42: {  	[sflag:s3] =	ssyncadd.s32 $0xFFFF8000  }
0x43: {  	[tilespmem:s2], [sflag:$0x2] =	stream.linear.gather [hbm4b:s9+s2], $0x800, $0x38;
	[tilespmem:$0x8800] =	vst v63  }
0x44: {  	_ =	swait.ge [sflag:s3], $0x800  }
0x45: {  	[sflag:s3] =	ssyncset.done $0x0  }
0x46: {  	[sflag:s3] =	ssyncadd.s32 $0xFFFFF800  }
0x47: {  	[tilespmem:s6], [sflag:$0x1] =	stream.indirect.gather [hbm4b:s5+s6], $0x10, s2, s6, $0xb8;
	[tilespmem:$0x8800] =	vst v63  }
0x48: {  	_ =	swait.ge [sflag:s7], $0x8000  }
0x49: {  	[sflag:s7] =	ssyncset.done $0x0  }
0x4a: {  	[sflag:s7] =	ssyncadd.s32 $0xFFFF8000  }
0x4b: {  	[hbm4b:s10+s2] =	stream.linear.scatter [tilespmem:s6], [sflag:$0x2], $0x8000, $0x38;
	[tilespmem:$0x8800] =	vst v63  }
0x4c: {  	_ =	swait.ge [sflag:s3], $0x8000  }
0x4d: {  	[sflag:s3] =	ssyncset.done $0x0  }
0x4e: {  	[sflag:s3] =	ssyncadd.s32 $0xFFFF8000  }
0x4f: {  	[tilespmem:s2], [sflag:$0x2] =	stream.linear.gather [hbm4b:s11+s2], $0x800, $0x38;
	[tilespmem:$0x8800] =	vst v63  }
0x50: {  	_ =	swait.ge [sflag:s3], $0x800  }
0x51: {  	[sflag:s3] =	ssyncset.done $0x0  }
0x52: {  	[sflag:s3] =	ssyncadd.s32 $0xFFFFF800  }
0x53: {  	[tilespmem:s6], [sflag:$0x1] =	stream.indirect.gather [hbm4b:s5+s6], $0x10, s2, s6, $0xb8;
	[tilespmem:$0x8800] =	vst v63  }
0x54: {  	_ =	swait.ge [sflag:s7], $0x8000  }
0x55: {  	[sflag:s7] =	ssyncset.done $0x0  }
0x56: {  	[sflag:s7] =	ssyncadd.s32 $0xFFFF8000  }
0x57: {  	[hbm4b:s12+s2] =	stream.linear.scatter [tilespmem:s6], [sflag:$0x2], $0x8000, $0x38;
	[tilespmem:$0x8800] =	vst v63  }
0x58: {  	_ =	swait.ge [sflag:s3], $0x8000  }
0x59: {  	[sflag:s3] =	ssyncset.done $0x0  }
0x5a: {  	[sflag:s3] =	ssyncadd.s32 $0xFFFF8000  }
0x5b: {  	[tilespmem:s2], [sflag:$0x2] =	stream.linear.gather [hbm4b:s13+s2], $0x800, $0x38;
	[tilespmem:$0x8800] =	vst v63  }
0x5c: {  	_ =	swait.ge [sflag:s3], $0x800  }
0x5d: {  	[sflag:s3] =	ssyncset.done $0x0  }
0x5e: {  	[sflag:s3] =	ssyncadd.s32 $0xFFFFF800  }
0x5f: {  	[tilespmem:s6], [sflag:$0x1] =	stream.indirect.gather [hbm4b:s5+s6], $0x10, s2, s6, $0xb8;
	[tilespmem:$0x8800] =	vst v63  }
0x60: {  	_ =	swait.ge [sflag:s7], $0x8000  }
.Ltmp1:
0x61: {  	[sflag:s7] =	ssyncset.done $0x0;
	(pc) =	sbr.rel @p0 .LBB2_1-.Ltmp1, $4  }
0x62: {  	[sflag:s7] =	ssyncadd.s32 $0xFFFF8000  }
0x63: {  	[hbm4b:s14+s2] =	stream.linear.scatter [tilespmem:s6], [sflag:$0x2], $0x8000, $0x38;
	[tilespmem:$0x8800] =	vst v63  }
0x64: {  	_ =	swait.ge [sflag:s3], $0x8000  }
0x65: {  	[sflag:s3] =	ssyncset.done $0x0  }
.LBB2_2:
0x66: {  	[sflag:s3] =	ssyncadd.s32 $0xFFFF8000  }
0x67: {  	_ =	sfence.sel $0x180000  }
0x68: {  	[bflag:$0x0] =	sbarrier.arrive $0xFFFF  }
0x69: {  	p0 =	sne.s32 s0, $0x0;
	_ =	strace $0x90000047  }
0x6a: {  	s0 =	sadd.s32 @!p0 $0x100000, s1;
	[bflag:$0x2] =	sbarrier.arrive $0xFFFF  }
0x6b: {  	[sflag:s0] =	ssyncadd.tile.s32 @!p0 $0x1;
	_ =	shalt  }
.Lfunc_end2:
_tile_overlayer_lowered:
.L_overlay_start_2:
0x6c: {  	(tag) =	ssettag $0x2  }
0x6d: {  	s0 =	rddreg [dreg:$0x0];
	s2 =	stileid.u32  }
0x6e: {  	s1 =	rddreg [dreg:$0x1];
	p0 =	sne.s32 s2, $0x0  }
0x6f: {  	s3 =	rddreg [dreg:$0x2];
	[bflag:$0x3] =	sbarrier.arrive $0xFFFF;
	s2 =	simm.s32 @!p0 $0x1C02  }
0x70: {  	[timem:s3], [sflag:s2] =	dma.local @!p0 [hbm:s0], s1  }
0x71: {  	s0 =	simm.s32 @!p0 $0x2  }
0x72: {  	_ =	swait.ge @!p0 [sflag:s0], s1  }
0x73: {  	s1 =	ssub.s32 @!p0 $0x0, s1;
	[sflag:s0] =	ssyncset.done @!p0 $0x0  }
0x74: {  	[sflag:s0] =	ssyncadd.s32 @!p0 s1  }
0x75: {  	[bflag:$0x3] =	sbarrier.arrive $0xFFFF  }
0x76: {  	_ =	shalt  }

</sc_bundles>
